<compile_context>
chip_gen: v7x
topology: tpu7x:2x2x1
jax: 0.10.2.dev20260603
libtpu: 0.0.44.dev20260713+nightly
codegen_flags: <defaults>
</compile_context>

<pallas_src>
import functools

import jax
import jax.numpy as jnp
import numpy as np
from jax import lax
from jax.experimental import pallas as pl
from jax.experimental.pallas import tpu as pltpu
from jax.experimental.pallas import tpu_sc as plsc

_VOCAB = 100000
_D = 64
_DP = 128
_SEQ = 200
_BATCH = 4096

_NC = 2
_NS = 16
_NW = _NC * _NS
_SPW = _BATCH // _NW
_G = 40
_NG = _SEQ // _G
_H = _SEQ // 2


def _positional_encoding_packed() -> jnp.ndarray:
    pos = np.arange(_SEQ, dtype=np.float64)[:, None]
    div = np.exp(np.arange(0, _D, 2, dtype=np.float64) * (-np.log(10000.0) / _D))
    pe = np.zeros((_SEQ, _D), dtype=np.float32)
    pe[:, 0::2] = np.sin(pos * div).astype(np.float32)
    pe[:, 1::2] = np.cos(pos * div).astype(np.float32)
    return jnp.asarray(np.concatenate([pe[:_H], pe[_H:]], axis=1))


_MESH = plsc.VectorSubcoreMesh(core_axis_name="c", subcore_axis_name="s")


@functools.partial(
    pl.kernel,
    mesh=_MESH,
    out_type=jax.ShapeDtypeStruct((_BATCH, _SEQ, _D), jnp.float32),
    scratch_types=[
        pltpu.VMEM((_SEQ,), jnp.int32),
        pltpu.VMEM((_SEQ,), jnp.int32),
        pltpu.VMEM((_SEQ, _DP), jnp.float32),
        pltpu.VMEM((_SEQ, _DP), jnp.float32),
        pltpu.VMEM((_SEQ, _D), jnp.float32),
        pltpu.VMEM((_SEQ, _D), jnp.float32),
        pltpu.VMEM((_H, _DP), jnp.float32),
        pltpu.SemaphoreType.DMA,
        pltpu.SemaphoreType.DMA,
        pltpu.SemaphoreType.DMA,
        pltpu.SemaphoreType.DMA,
    ],
    compiler_params=pltpu.CompilerParams(use_tc_tiling_on_sc=True),
)
def _embed(x_hbm, table_hbm, pe_hbm, out_hbm,
           idx0, idx1, g0, g1, w0, w1, pe_v, sg0, sg1, so0, so1):
    wid = lax.axis_index("s") * _NC + lax.axis_index("c")
    base = wid * _SPW
    pltpu.sync_copy(pe_hbm, pe_v)
    slots = ((idx0, g0, w0, sg0, so0), (idx1, g1, w1, sg1, so1))

    def fire_gathers(idx_b, g_b, sem):
        for g in range(_NG):
            pltpu.async_copy(
                table_hbm.at[idx_b.at[pl.ds(g * _G, _G)]],
                g_b.at[pl.ds(g * _G, _G)],
                sem,
            )

    def wait_gathers(idx_b, g_b, sem):
        for g in range(_NG):
            pltpu.make_async_copy(
                table_hbm.at[idx_b.at[pl.ds(g * _G, _G)]],
                g_b.at[pl.ds(g * _G, _G)],
                sem,
            ).wait()

    def wait_out(cc, w_b, sem):
        pltpu.make_async_copy(w_b, out_hbm.at[base + cc], sem).wait()

    pltpu.sync_copy(x_hbm.at[base], idx0)
    pltpu.sync_copy(x_hbm.at[base + 1], idx1)
    fire_gathers(idx0, g0, sg0)

    def body(ci, carry):
        for b in range(2):
            idx_b, g_b, w_b, sg_b, so_b = slots[b]
            idx_n, g_n, w_n, sg_n, so_n = slots[1 - b]
            cc = ci * 2 + b
            wait_gathers(idx_b, g_b, sg_b)

            def add_pe(q, _):
                for h in range(2):
                    s = 2 * q + h
                    for j in range(4):
                        d = pl.ds(j * 16, 16)
                        w_b[s, d] = g_b[s, d] + pe_v[s, d]
                        dh = pl.ds(_D + j * 16, 16)
                        w_b[s + _H, d] = g_b[s + _H, d] + pe_v[s, dh]
                return _

            lax.fori_loop(0, _H // 2, add_pe, 0)
            pltpu.async_copy(w_b, out_hbm.at[base + cc], so_b)

            @pl.when(cc + 2 < _SPW)
            def _():
                pltpu.sync_copy(x_hbm.at[base + cc + 2], idx_b)

            @pl.when(cc + 1 < _SPW)
            def _():
                @pl.when(cc >= 1)
                def _():
                    wait_out(cc - 1, w_n, so_n)

                fire_gathers(idx_n, g_n, sg_n)

        return carry

    lax.fori_loop(0, _SPW // 2, body, 0)
    wait_out(_SPW - 2, w0, so0)
    wait_out(_SPW - 1, w1, so1)


def kernel(x, table):
    tablep = jnp.pad(table, ((0, 0), (0, _DP - _D)))
    return _embed(x.astype(jnp.int32), tablep, _positional_encoding_packed())

# --- scband reference (transcript-rebuilt; emitter-appended) ---
"""Pipeline reference for scband-sentence-embedding-90374701843245 (READ-ONLY COPY).

The authoritative reference and input builder live on the scoring server;
editing this copy changes nothing except your own understanding.
"""

import jax, jax.numpy as jnp
import numpy as np

VOCAB = 100000
D_MODEL = 64
MAX_SEQ = 200
BATCH = 4096

def positional_encoding(max_len, d_model):
    position = jnp.arange(max_len, dtype=jnp.float32)[:, None]
    div_term = jnp.exp(jnp.arange(0, d_model, 2, dtype=jnp.float32) * (-jnp.log(10000.0) / d_model))
    pe = jnp.zeros((max_len, d_model), dtype=jnp.float32)
    pe = pe.at[:, 0::2].set(jnp.sin(position * div_term))
    pe = pe.at[:, 1::2].set(jnp.cos(position * div_term))
    return pe

def setup_inputs(seed: int = 0) -> dict:
    key = jax.random.key(seed)
    k1, k2 = jax.random.split(key)
    x = jax.random.randint(k1, (BATCH, MAX_SEQ), 0, VOCAB, dtype=jnp.int64 if jax.config.jax_enable_x64 else jnp.int32)
    table = jax.random.normal(k2, (VOCAB, D_MODEL), dtype=jnp.float32)
    return {"x": x, "table": table}

def reference(x, table):
    # Pre-tokenized indices bypass batch_tokenize (string tokenization is not
    # representable in a tensor program). Core compute: embedding gather +
    # sinusoidal positional encoding; dropout is identity in eval mode.
    emb = jnp.take(table, x, axis=0)  # [B, S, D] gather
    pe = positional_encoding(MAX_SEQ, D_MODEL)  # [S, D]
    out = emb + pe[None, :, :]
    return out

if __name__ == "__main__":
    import jax
    _d = setup_inputs()
    print(jax.jit(kernel)(*tuple(_d.values())))

</pallas_src>

<mosaic_0001>
#map = affine_map<(d0, d1) -> (0, 0)>
#map1 = affine_map<(d0, d1) -> (0, 0, 0)>
module attributes {stable_mosaic.version = 14 : i64} {
  func.func @_embed(%arg0: i32, %arg1: i32, %arg2: memref<4096x200xi32, #tpu.memory_space<hbm>>, %arg3: memref<100000x128xf32, #tpu.memory_space<hbm>>, %arg4: memref<100x128xf32, #tpu.memory_space<hbm>>, %arg5: memref<4096x200x64xf32, #tpu.memory_space<hbm>>, %arg6: memref<200xi32, #tpu.memory_space<vmem>>, %arg7: memref<200xi32, #tpu.memory_space<vmem>>, %arg8: memref<200x128xf32, #tpu.memory_space<vmem>>, %arg9: memref<200x128xf32, #tpu.memory_space<vmem>>, %arg10: memref<200x64xf32, #tpu.memory_space<vmem>>, %arg11: memref<200x64xf32, #tpu.memory_space<vmem>>, %arg12: memref<100x128xf32, #tpu.memory_space<vmem>>, %arg13: memref<!tpu.dma_semaphore, #tpu.memory_space<semaphore_mem>>, %arg14: memref<!tpu.dma_semaphore, #tpu.memory_space<semaphore_mem>>, %arg15: memref<!tpu.dma_semaphore, #tpu.memory_space<semaphore_mem>>, %arg16: memref<!tpu.dma_semaphore, #tpu.memory_space<semaphore_mem>>) attributes {dimension_semantics = [#tpu.dimension_semantics<core_parallel>, #tpu.dimension_semantics<subcore_parallel>], iteration_bounds = array<i64: 2, 16>, scalar_prefetch = 0 : i64, scratch_operands = 11 : i64, tpu.core_type = #tpu.core_type<sc_vector_subcore>, window_params = [{transform_indices = #map}, {transform_indices = #map}, {transform_indices = #map}, {transform_indices = #map1}]} {
    %mul3A = arith.constant 2 : i32
    %mul3A_0 = arith.muli %arg1, %mul3A : i32
    %add3A = arith.addi %mul3A_0, %arg0 : i32
    %mul3A_1 = arith.constant 128 : i32
    %mul3A_2 = arith.muli %add3A, %mul3A_1 : i32
    "tpu.region"() ({
      %run_scoped3A = tpu.sem_alloc : memref<!tpu.dma_semaphore, #tpu.memory_space<semaphore_mem>>
      tpu.enqueue_dma source(%arg4 : memref<100x128xf32, #tpu.memory_space<hbm>>) target(%arg12 : memref<100x128xf32, #tpu.memory_space<vmem>>) target_semaphore(%run_scoped3A : memref<!tpu.dma_semaphore, #tpu.memory_space<semaphore_mem>>)
      tpu.wait_dma2 semaphore(%run_scoped3A : memref<!tpu.dma_semaphore, #tpu.memory_space<semaphore_mem>>) src(%arg4 : memref<100x128xf32, #tpu.memory_space<hbm>>) dst(%arg12 : memref<100x128xf32, #tpu.memory_space<vmem>>)
      tpu.yield
    }) : () -> ()
    "tpu.region"() ({
      %run_scoped3A = tpu.sem_alloc : memref<!tpu.dma_semaphore, #tpu.memory_space<semaphore_mem>>
      %dma_start3A_68 = arith.constant 0 : i32
      %dma_start3A_69 = tpu.memref_slice %arg2[%mul3A_2, %dma_start3A_68] : memref<4096x200xi32, #tpu.memory_space<hbm>> -> memref<1x200xi32, #tpu.memory_space<hbm>>
      %dma_start3A_70 = tpu.memref_squeeze %dma_start3A_69 : memref<1x200xi32, #tpu.memory_space<hbm>> -> memref<200xi32, #tpu.memory_space<hbm>>
      %dma_start3A_71 = arith.constant 0 : i32
      %dma_start3A_72 = tpu.memref_slice %arg2[%mul3A_2, %dma_start3A_71] : memref<4096x200xi32, #tpu.memory_space<hbm>> -> memref<1x200xi32, #tpu.memory_space<hbm>>
      %dma_start3A_73 = tpu.memref_squeeze %dma_start3A_72 : memref<1x200xi32, #tpu.memory_space<hbm>> -> memref<200xi32, #tpu.memory_space<hbm>>
      tpu.enqueue_dma source(%dma_start3A_73 : memref<200xi32, #tpu.memory_space<hbm>>) target(%arg6 : memref<200xi32, #tpu.memory_space<vmem>>) target_semaphore(%run_scoped3A : memref<!tpu.dma_semaphore, #tpu.memory_space<semaphore_mem>>)
      %dma_wait3A_74 = arith.constant 0 : i32
      %dma_wait3A_75 = tpu.memref_slice %arg2[%mul3A_2, %dma_wait3A_74] : memref<4096x200xi32, #tpu.memory_space<hbm>> -> memref<1x200xi32, #tpu.memory_space<hbm>>
      %dma_wait3A_76 = tpu.memref_squeeze %dma_wait3A_75 : memref<1x200xi32, #tpu.memory_space<hbm>> -> memref<200xi32, #tpu.memory_space<hbm>>
      %dma_wait3A_77 = arith.constant 0 : i32
      %dma_wait3A_78 = tpu.memref_slice %arg2[%mul3A_2, %dma_wait3A_77] : memref<4096x200xi32, #tpu.memory_space<hbm>> -> memref<1x200xi32, #tpu.memory_space<hbm>>
      %dma_wait3A_79 = tpu.memref_squeeze %dma_wait3A_78 : memref<1x200xi32, #tpu.memory_space<hbm>> -> memref<200xi32, #tpu.memory_space<hbm>>
      tpu.wait_dma2 semaphore(%run_scoped3A : memref<!tpu.dma_semaphore, #tpu.memory_space<semaphore_mem>>) src(%dma_wait3A_79 : memref<200xi32, #tpu.memory_space<hbm>>) dst(%arg6 : memref<200xi32, #tpu.memory_space<vmem>>)
      tpu.yield
    }) : () -> ()
    %add3A_3 = arith.constant 1 : i32
    %add3A_4 = arith.addi %mul3A_2, %add3A_3 : i32
    "tpu.region"() ({
      %run_scoped3A = tpu.sem_alloc : memref<!tpu.dma_semaphore, #tpu.memory_space<semaphore_mem>>
      %dma_start3A_68 = arith.constant 0 : i32
      %dma_start3A_69 = tpu.memref_slice %arg2[%add3A_4, %dma_start3A_68] : memref<4096x200xi32, #tpu.memory_space<hbm>> -> memref<1x200xi32, #tpu.memory_space<hbm>>
      %dma_start3A_70 = tpu.memref_squeeze %dma_start3A_69 : memref<1x200xi32, #tpu.memory_space<hbm>> -> memref<200xi32, #tpu.memory_space<hbm>>
      %dma_start3A_71 = arith.constant 0 : i32
      %dma_start3A_72 = tpu.memref_slice %arg2[%add3A_4, %dma_start3A_71] : memref<4096x200xi32, #tpu.memory_space<hbm>> -> memref<1x200xi32, #tpu.memory_space<hbm>>
      %dma_start3A_73 = tpu.memref_squeeze %dma_start3A_72 : memref<1x200xi32, #tpu.memory_space<hbm>> -> memref<200xi32, #tpu.memory_space<hbm>>
      tpu.enqueue_dma source(%dma_start3A_73 : memref<200xi32, #tpu.memory_space<hbm>>) target(%arg7 : memref<200xi32, #tpu.memory_space<vmem>>) target_semaphore(%run_scoped3A : memref<!tpu.dma_semaphore, #tpu.memory_space<semaphore_mem>>)
      %dma_wait3A_74 = arith.constant 0 : i32
      %dma_wait3A_75 = tpu.memref_slice %arg2[%add3A_4, %dma_wait3A_74] : memref<4096x200xi32, #tpu.memory_space<hbm>> -> memref<1x200xi32, #tpu.memory_space<hbm>>
      %dma_wait3A_76 = tpu.memref_squeeze %dma_wait3A_75 : memref<1x200xi32, #tpu.memory_space<hbm>> -> memref<200xi32, #tpu.memory_space<hbm>>
      %dma_wait3A_77 = arith.constant 0 : i32
      %dma_wait3A_78 = tpu.memref_slice %arg2[%add3A_4, %dma_wait3A_77] : memref<4096x200xi32, #tpu.memory_space<hbm>> -> memref<1x200xi32, #tpu.memory_space<hbm>>
      %dma_wait3A_79 = tpu.memref_squeeze %dma_wait3A_78 : memref<1x200xi32, #tpu.memory_space<hbm>> -> memref<200xi32, #tpu.memory_space<hbm>>
      tpu.wait_dma2 semaphore(%run_scoped3A : memref<!tpu.dma_semaphore, #tpu.memory_space<semaphore_mem>>) src(%dma_wait3A_79 : memref<200xi32, #tpu.memory_space<hbm>>) dst(%arg7 : memref<200xi32, #tpu.memory_space<vmem>>)
      tpu.yield
    }) : () -> ()
    %dma_start3A = arith.constant 0 : i32
    %dma_start3A_5 = arith.constant 0 : i32
    %dma_start3A_6 = tpu.memref_slice %arg8[%dma_start3A, %dma_start3A_5] : memref<200x128xf32, #tpu.memory_space<vmem>> -> memref<40x128xf32, #tpu.memory_space<vmem>>
    %dma_start3A_7 = arith.constant 0 : i32
    %dma_start3A_8 = tpu.memref_slice %arg6[%dma_start3A_7] : memref<200xi32, #tpu.memory_space<vmem>> -> memref<40xi32, #tpu.memory_space<vmem>>
    %dma_start3A_9 = arith.constant 0 : i32
    %dma_start3A_10 = arith.constant 0 : i32
    %dma_start3A_11 = tpu.memref_slice %arg3[%dma_start3A_9, %dma_start3A_10] : memref<100000x128xf32, #tpu.memory_space<hbm>> -> memref<100000x128xf32, #tpu.memory_space<hbm>>
    tpu.enqueue_indirect_dma source(%dma_start3A_11 : memref<100000x128xf32, #tpu.memory_space<hbm>>) target(%dma_start3A_6 : memref<40x128xf32, #tpu.memory_space<vmem>>) offsets(%dma_start3A_8 : memref<40xi32, #tpu.memory_space<vmem>>) semaphore(%arg13 : memref<!tpu.dma_semaphore, #tpu.memory_space<semaphore_mem>>)
    %dma_start3A_12 = arith.constant 40 : i32
    %dma_start3A_13 = arith.constant 0 : i32
    %dma_start3A_14 = tpu.memref_slice %arg8[%dma_start3A_12, %dma_start3A_13] : memref<200x128xf32, #tpu.memory_space<vmem>> -> memref<40x128xf32, #tpu.memory_space<vmem>>
    %dma_start3A_15 = arith.constant 40 : i32
    %dma_start3A_16 = tpu.memref_slice %arg6[%dma_start3A_15] : memref<200xi32, #tpu.memory_space<vmem>> -> memref<40xi32, #tpu.memory_space<vmem>>
    %dma_start3A_17 = arith.constant 0 : i32
    %dma_start3A_18 = arith.constant 0 : i32
    %dma_start3A_19 = tpu.memref_slice %arg3[%dma_start3A_17, %dma_start3A_18] : memref<100000x128xf32, #tpu.memory_space<hbm>> -> memref<100000x128xf32, #tpu.memory_space<hbm>>
    tpu.enqueue_indirect_dma source(%dma_start3A_19 : memref<100000x128xf32, #tpu.memory_space<hbm>>) target(%dma_start3A_14 : memref<40x128xf32, #tpu.memory_space<vmem>>) offsets(%dma_start3A_16 : memref<40xi32, #tpu.memory_space<vmem>>) semaphore(%arg13 : memref<!tpu.dma_semaphore, #tpu.memory_space<semaphore_mem>>)
    %dma_start3A_20 = arith.constant 80 : i32
    %dma_start3A_21 = arith.constant 0 : i32
    %dma_start3A_22 = tpu.memref_slice %arg8[%dma_start3A_20, %dma_start3A_21] : memref<200x128xf32, #tpu.memory_space<vmem>> -> memref<40x128xf32, #tpu.memory_space<vmem>>
    %dma_start3A_23 = arith.constant 80 : i32
    %dma_start3A_24 = tpu.memref_slice %arg6[%dma_start3A_23] : memref<200xi32, #tpu.memory_space<vmem>> -> memref<40xi32, #tpu.memory_space<vmem>>
    %dma_start3A_25 = arith.constant 0 : i32
    %dma_start3A_26 = arith.constant 0 : i32
    %dma_start3A_27 = tpu.memref_slice %arg3[%dma_start3A_25, %dma_start3A_26] : memref<100000x128xf32, #tpu.memory_space<hbm>> -> memref<100000x128xf32, #tpu.memory_space<hbm>>
    tpu.enqueue_indirect_dma source(%dma_start3A_27 : memref<100000x128xf32, #tpu.memory_space<hbm>>) target(%dma_start3A_22 : memref<40x128xf32, #tpu.memory_space<vmem>>) offsets(%dma_start3A_24 : memref<40xi32, #tpu.memory_space<vmem>>) semaphore(%arg13 : memref<!tpu.dma_semaphore, #tpu.memory_space<semaphore_mem>>)
    %dma_start3A_28 = arith.constant 120 : i32
    %dma_start3A_29 = arith.constant 0 : i32
    %dma_start3A_30 = tpu.memref_slice %arg8[%dma_start3A_28, %dma_start3A_29] : memref<200x128xf32, #tpu.memory_space<vmem>> -> memref<40x128xf32, #tpu.memory_space<vmem>>
    %dma_start3A_31 = arith.constant 120 : i32
    %dma_start3A_32 = tpu.memref_slice %arg6[%dma_start3A_31] : memref<200xi32, #tpu.memory_space<vmem>> -> memref<40xi32, #tpu.memory_space<vmem>>
    %dma_start3A_33 = arith.constant 0 : i32
    %dma_start3A_34 = arith.constant 0 : i32
    %dma_start3A_35 = tpu.memref_slice %arg3[%dma_start3A_33, %dma_start3A_34] : memref<100000x128xf32, #tpu.memory_space<hbm>> -> memref<100000x128xf32, #tpu.memory_space<hbm>>
    tpu.enqueue_indirect_dma source(%dma_start3A_35 : memref<100000x128xf32, #tpu.memory_space<hbm>>) target(%dma_start3A_30 : memref<40x128xf32, #tpu.memory_space<vmem>>) offsets(%dma_start3A_32 : memref<40xi32, #tpu.memory_space<vmem>>) semaphore(%arg13 : memref<!tpu.dma_semaphore, #tpu.memory_space<semaphore_mem>>)
    %dma_start3A_36 = arith.constant 160 : i32
    %dma_start3A_37 = arith.constant 0 : i32
    %dma_start3A_38 = tpu.memref_slice %arg8[%dma_start3A_36, %dma_start3A_37] : memref<200x128xf32, #tpu.memory_space<vmem>> -> memref<40x128xf32, #tpu.memory_space<vmem>>
    %dma_start3A_39 = arith.constant 160 : i32
    %dma_start3A_40 = tpu.memref_slice %arg6[%dma_start3A_39] : memref<200xi32, #tpu.memory_space<vmem>> -> memref<40xi32, #tpu.memory_space<vmem>>
    %dma_start3A_41 = arith.constant 0 : i32
    %dma_start3A_42 = arith.constant 0 : i32
    %dma_start3A_43 = tpu.memref_slice %arg3[%dma_start3A_41, %dma_start3A_42] : memref<100000x128xf32, #tpu.memory_space<hbm>> -> memref<100000x128xf32, #tpu.memory_space<hbm>>
    tpu.enqueue_indirect_dma source(%dma_start3A_43 : memref<100000x128xf32, #tpu.memory_space<hbm>>) target(%dma_start3A_38 : memref<40x128xf32, #tpu.memory_space<vmem>>) offsets(%dma_start3A_40 : memref<40xi32, #tpu.memory_space<vmem>>) semaphore(%arg13 : memref<!tpu.dma_semaphore, #tpu.memory_space<semaphore_mem>>)
    %scan3A = arith.constant 0 : i32
    %scan3A_44 = arith.constant 0 : i32
    %scan3A_45 = arith.constant 64 : i32
    %scan3A_46 = arith.addi %scan3A_44, %scan3A_45 : i32
    %scan3A_47 = arith.constant 1 : i32
    scf.for %scan3A_68 = %scan3A_44 to %scan3A_46 step %scan3A_47  : i32 {
      %mul3A_69 = arith.constant 2 : i32
      %mul3A_70 = arith.muli %scan3A_68, %mul3A_69 : i32
      %add3A_71 = arith.constant 0 : i32
      %add3A_72 = arith.addi %mul3A_70, %add3A_71 : i32
      %dma_wait3A_73 = arith.constant 0 : i32
      %dma_wait3A_74 = arith.constant 0 : i32
      %dma_wait3A_75 = tpu.memref_slice %arg8[%dma_wait3A_73, %dma_wait3A_74] : memref<200x128xf32, #tpu.memory_space<vmem>> -> memref<40x128xf32, #tpu.memory_space<vmem>>
      %dma_wait3A_76 = arith.constant 0 : i32
      %dma_wait3A_77 = tpu.memref_slice %arg6[%dma_wait3A_76] : memref<200xi32, #tpu.memory_space<vmem>> -> memref<40xi32, #tpu.memory_space<vmem>>
      %dma_wait3A_78 = arith.constant 0 : i32
      %dma_wait3A_79 = arith.constant 0 : i32
      %dma_wait3A_80 = tpu.memref_slice %arg3[%dma_wait3A_78, %dma_wait3A_79] : memref<100000x128xf32, #tpu.memory_space<hbm>> -> memref<100000x128xf32, #tpu.memory_space<hbm>>
      tpu.wait_indirect_dma semaphore(%arg13 : memref<!tpu.dma_semaphore, #tpu.memory_space<semaphore_mem>>) src(%dma_wait3A_80 : memref<100000x128xf32, #tpu.memory_space<hbm>>) dst(%dma_wait3A_75 : memref<40x128xf32, #tpu.memory_space<vmem>>)
      %dma_wait3A_81 = arith.constant 40 : i32
      %dma_wait3A_82 = arith.constant 0 : i32
      %dma_wait3A_83 = tpu.memref_slice %arg8[%dma_wait3A_81, %dma_wait3A_82] : memref<200x128xf32, #tpu.memory_space<vmem>> -> memref<40x128xf32, #tpu.memory_space<vmem>>
      %dma_wait3A_84 = arith.constant 40 : i32
      %dma_wait3A_85 = tpu.memref_slice %arg6[%dma_wait3A_84] : memref<200xi32, #tpu.memory_space<vmem>> -> memref<40xi32, #tpu.memory_space<vmem>>
      %dma_wait3A_86 = arith.constant 0 : i32
      %dma_wait3A_87 = arith.constant 0 : i32
      %dma_wait3A_88 = tpu.memref_slice %arg3[%dma_wait3A_86, %dma_wait3A_87] : memref<100000x128xf32, #tpu.memory_space<hbm>> -> memref<100000x128xf32, #tpu.memory_space<hbm>>
      tpu.wait_indirect_dma semaphore(%arg13 : memref<!tpu.dma_semaphore, #tpu.memory_space<semaphore_mem>>) src(%dma_wait3A_88 : memref<100000x128xf32, #tpu.memory_space<hbm>>) dst(%dma_wait3A_83 : memref<40x128xf32, #tpu.memory_space<vmem>>)
      %dma_wait3A_89 = arith.constant 80 : i32
      %dma_wait3A_90 = arith.constant 0 : i32
      %dma_wait3A_91 = tpu.memref_slice %arg8[%dma_wait3A_89, %dma_wait3A_90] : memref<200x128xf32, #tpu.memory_space<vmem>> -> memref<40x128xf32, #tpu.memory_space<vmem>>
      %dma_wait3A_92 = arith.constant 80 : i32
      %dma_wait3A_93 = tpu.memref_slice %arg6[%dma_wait3A_92] : memref<200xi32, #tpu.memory_space<vmem>> -> memref<40xi32, #tpu.memory_space<vmem>>
      %dma_wait3A_94 = arith.constant 0 : i32
      %dma_wait3A_95 = arith.constant 0 : i32
      %dma_wait3A_96 = tpu.memref_slice %arg3[%dma_wait3A_94, %dma_wait3A_95] : memref<100000x128xf32, #tpu.memory_space<hbm>> -> memref<100000x128xf32, #tpu.memory_space<hbm>>
      tpu.wait_indirect_dma semaphore(%arg13 : memref<!tpu.dma_semaphore, #tpu.memory_space<semaphore_mem>>) src(%dma_wait3A_96 : memref<100000x128xf32, #tpu.memory_space<hbm>>) dst(%dma_wait3A_91 : memref<40x128xf32, #tpu.memory_space<vmem>>)
      %dma_wait3A_97 = arith.constant 120 : i32
      %dma_wait3A_98 = arith.constant 0 : i32
      %dma_wait3A_99 = tpu.memref_slice %arg8[%dma_wait3A_97, %dma_wait3A_98] : memref<200x128xf32, #tpu.memory_space<vmem>> -> memref<40x128xf32, #tpu.memory_space<vmem>>
      %dma_wait3A_100 = arith.constant 120 : i32
      %dma_wait3A_101 = tpu.memref_slice %arg6[%dma_wait3A_100] : memref<200xi32, #tpu.memory_space<vmem>> -> memref<40xi32, #tpu.memory_space<vmem>>
      %dma_wait3A_102 = arith.constant 0 : i32
      %dma_wait3A_103 = arith.constant 0 : i32
      %dma_wait3A_104 = tpu.memref_slice %arg3[%dma_wait3A_102, %dma_wait3A_103] : memref<100000x128xf32, #tpu.memory_space<hbm>> -> memref<100000x128xf32, #tpu.memory_space<hbm>>
      tpu.wait_indirect_dma semaphore(%arg13 : memref<!tpu.dma_semaphore, #tpu.memory_space<semaphore_mem>>) src(%dma_wait3A_104 : memref<100000x128xf32, #tpu.memory_space<hbm>>) dst(%dma_wait3A_99 : memref<40x128xf32, #tpu.memory_space<vmem>>)
      %dma_wait3A_105 = arith.constant 160 : i32
      %dma_wait3A_106 = arith.constant 0 : i32
      %dma_wait3A_107 = tpu.memref_slice %arg8[%dma_wait3A_105, %dma_wait3A_106] : memref<200x128xf32, #tpu.memory_space<vmem>> -> memref<40x128xf32, #tpu.memory_space<vmem>>
      %dma_wait3A_108 = arith.constant 160 : i32
      %dma_wait3A_109 = tpu.memref_slice %arg6[%dma_wait3A_108] : memref<200xi32, #tpu.memory_space<vmem>> -> memref<40xi32, #tpu.memory_space<vmem>>
      %dma_wait3A_110 = arith.constant 0 : i32
      %dma_wait3A_111 = arith.constant 0 : i32
      %dma_wait3A_112 = tpu.memref_slice %arg3[%dma_wait3A_110, %dma_wait3A_111] : memref<100000x128xf32, #tpu.memory_space<hbm>> -> memref<100000x128xf32, #tpu.memory_space<hbm>>
      tpu.wait_indirect_dma semaphore(%arg13 : memref<!tpu.dma_semaphore, #tpu.memory_space<semaphore_mem>>) src(%dma_wait3A_112 : memref<100000x128xf32, #tpu.memory_space<hbm>>) dst(%dma_wait3A_107 : memref<40x128xf32, #tpu.memory_space<vmem>>)
      %scan3A_113 = arith.constant 0 : i32
      %scan3A_114 = arith.constant 0 : i32
      %scan3A_115 = arith.constant 50 : i32
      %scan3A_116 = arith.addi %scan3A_114, %scan3A_115 : i32
      %scan3A_117 = arith.constant 1 : i32
      scf.for %scan3A_212 = %scan3A_114 to %scan3A_116 step %scan3A_117  : i32 {
        %mul3A_213 = arith.constant 2 : i32
        %mul3A_214 = arith.muli %mul3A_213, %scan3A_212 : i32
        %add3A_215 = arith.constant 0 : i32
        %add3A_216 = arith.addi %mul3A_214, %add3A_215 : i32
        %get3A = arith.index_cast %add3A_216 : i32 to index
        %get3A_217 = arith.constant 0 : index
        %get3A_218 = tpu.vector_load %arg8[%get3A, %get3A_217] {strides = array<i32>} : memref<200x128xf32, #tpu.memory_space<vmem>>, vector<1x16xf32>,
        %get3A_219 = vector.shape_cast %get3A_218 : vector<1x16xf32> to vector<16xf32>
        %get3A_220 = arith.index_cast %add3A_216 : i32 to index
        %get3A_221 = arith.constant 0 : index
        %get3A_222 = tpu.vector_load %arg12[%get3A_220, %get3A_221] {strides = array<i32>} : memref<100x128xf32, #tpu.memory_space<vmem>>, vector<1x16xf32>,
        %get3A_223 = vector.shape_cast %get3A_222 : vector<1x16xf32> to vector<16xf32>
        %add3A_224 = arith.addf %get3A_219, %get3A_223 : vector<16xf32>
        %swap3A = arith.index_cast %add3A_216 : i32 to index
        %swap3A_225 = arith.constant 0 : index
        %swap3A_226 = tpu.vector_load %arg10[%swap3A, %swap3A_225] {strides = array<i32>} : memref<200x64xf32, #tpu.memory_space<vmem>>, vector<1x16xf32>,
        %swap3A_227 = vector.shape_cast %swap3A_226 : vector<1x16xf32> to vector<16xf32>
        %swap3A_228 = vector.shape_cast %add3A_224 : vector<16xf32> to vector<1x16xf32>
        tpu.vector_store %arg10[%swap3A, %swap3A_225], %swap3A_228 {strides = array<i32>} : memref<200x64xf32, #tpu.memory_space<vmem>>, vector<1x16xf32>,
        %add3A_229 = arith.constant 100 : i32
        %add3A_230 = arith.addi %add3A_216, %add3A_229 : i32
        %get3A_231 = arith.index_cast %add3A_230 : i32 to index
        %get3A_232 = arith.constant 0 : index
        %get3A_233 = tpu.vector_load %arg8[%get3A_231, %get3A_232] {strides = array<i32>} : memref<200x128xf32, #tpu.memory_space<vmem>>, vector<1x16xf32>,
        %get3A_234 = vector.shape_cast %get3A_233 : vector<1x16xf32> to vector<16xf32>
        %get3A_235 = arith.index_cast %add3A_216 : i32 to index
        %get3A_236 = arith.constant 64 : index
        %get3A_237 = tpu.vector_load %arg12[%get3A_235, %get3A_236] {strides = array<i32>} : memref<100x128xf32, #tpu.memory_space<vmem>>, vector<1x16xf32>,
        %get3A_238 = vector.shape_cast %get3A_237 : vector<1x16xf32> to vector<16xf32>
        %add3A_239 = arith.addf %get3A_234, %get3A_238 : vector<16xf32>
        %add3A_240 = arith.constant 100 : i32
        %add3A_241 = arith.addi %add3A_216, %add3A_240 : i32
        %swap3A_242 = arith.index_cast %add3A_241 : i32 to index
        %swap3A_243 = arith.constant 0 : index
        %swap3A_244 = tpu.vector_load %arg10[%swap3A_242, %swap3A_243] {strides = array<i32>} : memref<200x64xf32, #tpu.memory_space<vmem>>, vector<1x16xf32>,
        %swap3A_245 = vector.shape_cast %swap3A_244 : vector<1x16xf32> to vector<16xf32>
        %swap3A_246 = vector.shape_cast %add3A_239 : vector<16xf32> to vector<1x16xf32>
        tpu.vector_store %arg10[%swap3A_242, %swap3A_243], %swap3A_246 {strides = array<i32>} : memref<200x64xf32, #tpu.memory_space<vmem>>, vector<1x16xf32>,
        %get3A_247 = arith.index_cast %add3A_216 : i32 to index
        %get3A_248 = arith.constant 16 : index
        %get3A_249 = tpu.vector_load %arg8[%get3A_247, %get3A_248] {strides = array<i32>} : memref<200x128xf32, #tpu.memory_space<vmem>>, vector<1x16xf32>,
        %get3A_250 = vector.shape_cast %get3A_249 : vector<1x16xf32> to vector<16xf32>
        %get3A_251 = arith.index_cast %add3A_216 : i32 to index
        %get3A_252 = arith.constant 16 : index
        %get3A_253 = tpu.vector_load %arg12[%get3A_251, %get3A_252] {strides = array<i32>} : memref<100x128xf32, #tpu.memory_space<vmem>>, vector<1x16xf32>,
        %get3A_254 = vector.shape_cast %get3A_253 : vector<1x16xf32> to vector<16xf32>
        %add3A_255 = arith.addf %get3A_250, %get3A_254 : vector<16xf32>
        %swap3A_256 = arith.index_cast %add3A_216 : i32 to index
        %swap3A_257 = arith.constant 16 : index
        %swap3A_258 = tpu.vector_load %arg10[%swap3A_256, %swap3A_257] {strides = array<i32>} : memref<200x64xf32, #tpu.memory_space<vmem>>, vector<1x16xf32>,
        %swap3A_259 = vector.shape_cast %swap3A_258 : vector<1x16xf32> to vector<16xf32>
        %swap3A_260 = vector.shape_cast %add3A_255 : vector<16xf32> to vector<1x16xf32>
        tpu.vector_store %arg10[%swap3A_256, %swap3A_257], %swap3A_260 {strides = array<i32>} : memref<200x64xf32, #tpu.memory_space<vmem>>, vector<1x16xf32>,
        %add3A_261 = arith.constant 100 : i32
        %add3A_262 = arith.addi %add3A_216, %add3A_261 : i32
        %get3A_263 = arith.index_cast %add3A_262 : i32 to index
        %get3A_264 = arith.constant 16 : index
        %get3A_265 = tpu.vector_load %arg8[%get3A_263, %get3A_264] {strides = array<i32>} : memref<200x128xf32, #tpu.memory_space<vmem>>, vector<1x16xf32>,
        %get3A_266 = vector.shape_cast %get3A_265 : vector<1x16xf32> to vector<16xf32>
        %get3A_267 = arith.index_cast %add3A_216 : i32 to index
        %get3A_268 = arith.constant 80 : index
        %get3A_269 = tpu.vector_load %arg12[%get3A_267, %get3A_268] {strides = array<i32>} : memref<100x128xf32, #tpu.memory_space<vmem>>, vector<1x16xf32>,
        %get3A_270 = vector.shape_cast %get3A_269 : vector<1x16xf32> to vector<16xf32>
        %add3A_271 = arith.addf %get3A_266, %get3A_270 : vector<16xf32>
        %add3A_272 = arith.constant 100 : i32
        %add3A_273 = arith.addi %add3A_216, %add3A_272 : i32
        %swap3A_274 = arith.index_cast %add3A_273 : i32 to index
        %swap3A_275 = arith.constant 16 : index
        %swap3A_276 = tpu.vector_load %arg10[%swap3A_274, %swap3A_275] {strides = array<i32>} : memref<200x64xf32, #tpu.memory_space<vmem>>, vector<1x16xf32>,
        %swap3A_277 = vector.shape_cast %swap3A_276 : vector<1x16xf32> to vector<16xf32>
        %swap3A_278 = vector.shape_cast %add3A_271 : vector<16xf32> to vector<1x16xf32>
        tpu.vector_store %arg10[%swap3A_274, %swap3A_275], %swap3A_278 {strides = array<i32>} : memref<200x64xf32, #tpu.memory_space<vmem>>, vector<1x16xf32>,
        %get3A_279 = arith.index_cast %add3A_216 : i32 to index
        %get3A_280 = arith.constant 32 : index
        %get3A_281 = tpu.vector_load %arg8[%get3A_279, %get3A_280] {strides = array<i32>} : memref<200x128xf32, #tpu.memory_space<vmem>>, vector<1x16xf32>,
        %get3A_282 = vector.shape_cast %get3A_281 : vector<1x16xf32> to vector<16xf32>
        %get3A_283 = arith.index_cast %add3A_216 : i32 to index
        %get3A_284 = arith.constant 32 : index
        %get3A_285 = tpu.vector_load %arg12[%get3A_283, %get3A_284] {strides = array<i32>} : memref<100x128xf32, #tpu.memory_space<vmem>>, vector<1x16xf32>,
        %get3A_286 = vector.shape_cast %get3A_285 : vector<1x16xf32> to vector<16xf32>
        %add3A_287 = arith.addf %get3A_282, %get3A_286 : vector<16xf32>
        %swap3A_288 = arith.index_cast %add3A_216 : i32 to index
        %swap3A_289 = arith.constant 32 : index
        %swap3A_290 = tpu.vector_load %arg10[%swap3A_288, %swap3A_289] {strides = array<i32>} : memref<200x64xf32, #tpu.memory_space<vmem>>, vector<1x16xf32>,
        %swap3A_291 = vector.shape_cast %swap3A_290 : vector<1x16xf32> to vector<16xf32>
        %swap3A_292 = vector.shape_cast %add3A_287 : vector<16xf32> to vector<1x16xf32>
        tpu.vector_store %arg10[%swap3A_288, %swap3A_289], %swap3A_292 {strides = array<i32>} : memref<200x64xf32, #tpu.memory_space<vmem>>, vector<1x16xf32>,
        %add3A_293 = arith.constant 100 : i32
        %add3A_294 = arith.addi %add3A_216, %add3A_293 : i32
        %get3A_295 = arith.index_cast %add3A_294 : i32 to index
        %get3A_296 = arith.constant 32 : index
        %get3A_297 = tpu.vector_load %arg8[%get3A_295, %get3A_296] {strides = array<i32>} : memref<200x128xf32, #tpu.memory_space<vmem>>, vector<1x16xf32>,
        %get3A_298 = vector.shape_cast %get3A_297 : vector<1x16xf32> to vector<16xf32>
        %get3A_299 = arith.index_cast %add3A_216 : i32 to index
        %get3A_300 = arith.constant 96 : index
        %get3A_301 = tpu.vector_load %arg12[%get3A_299, %get3A_300] {strides = array<i32>} : memref<100x128xf32, #tpu.memory_space<vmem>>, vector<1x16xf32>,
        %get3A_302 = vector.shape_cast %get3A_301 : vector<1x16xf32> to vector<16xf32>
        %add3A_303 = arith.addf %get3A_298, %get3A_302 : vector<16xf32>
        %add3A_304 = arith.constant 100 : i32
        %add3A_305 = arith.addi %add3A_216, %add3A_304 : i32
        %swap3A_306 = arith.index_cast %add3A_305 : i32 to index
        %swap3A_307 = arith.constant 32 : index
        %swap3A_308 = tpu.vector_load %arg10[%swap3A_306, %swap3A_307] {strides = array<i32>} : memref<200x64xf32, #tpu.memory_space<vmem>>, vector<1x16xf32>,
        %swap3A_309 = vector.shape_cast %swap3A_308 : vector<1x16xf32> to vector<16xf32>
        %swap3A_310 = vector.shape_cast %add3A_303 : vector<16xf32> to vector<1x16xf32>
        tpu.vector_store %arg10[%swap3A_306, %swap3A_307], %swap3A_310 {strides = array<i32>} : memref<200x64xf32, #tpu.memory_space<vmem>>, vector<1x16xf32>,
        %get3A_311 = arith.index_cast %add3A_216 : i32 to index
        %get3A_312 = arith.constant 48 : index
        %get3A_313 = tpu.vector_load %arg8[%get3A_311, %get3A_312] {strides = array<i32>} : memref<200x128xf32, #tpu.memory_space<vmem>>, vector<1x16xf32>,
        %get3A_314 = vector.shape_cast %get3A_313 : vector<1x16xf32> to vector<16xf32>
        %get3A_315 = arith.index_cast %add3A_216 : i32 to index
        %get3A_316 = arith.constant 48 : index
        %get3A_317 = tpu.vector_load %arg12[%get3A_315, %get3A_316] {strides = array<i32>} : memref<100x128xf32, #tpu.memory_space<vmem>>, vector<1x16xf32>,
        %get3A_318 = vector.shape_cast %get3A_317 : vector<1x16xf32> to vector<16xf32>
        %add3A_319 = arith.addf %get3A_314, %get3A_318 : vector<16xf32>
        %swap3A_320 = arith.index_cast %add3A_216 : i32 to index
        %swap3A_321 = arith.constant 48 : index
        %swap3A_322 = tpu.vector_load %arg10[%swap3A_320, %swap3A_321] {strides = array<i32>} : memref<200x64xf32, #tpu.memory_space<vmem>>, vector<1x16xf32>,
        %swap3A_323 = vector.shape_cast %swap3A_322 : vector<1x16xf32> to vector<16xf32>
        %swap3A_324 = vector.shape_cast %add3A_319 : vector<16xf32> to vector<1x16xf32>
        tpu.vector_store %arg10[%swap3A_320, %swap3A_321], %swap3A_324 {strides = array<i32>} : memref<200x64xf32, #tpu.memory_space<vmem>>, vector<1x16xf32>,
        %add3A_325 = arith.constant 100 : i32
        %add3A_326 = arith.addi %add3A_216, %add3A_325 : i32
        %get3A_327 = arith.index_cast %add3A_326 : i32 to index
        %get3A_328 = arith.constant 48 : index
        %get3A_329 = tpu.vector_load %arg8[%get3A_327, %get3A_328] {strides = array<i32>} : memref<200x128xf32, #tpu.memory_space<vmem>>, vector<1x16xf32>,
        %get3A_330 = vector.shape_cast %get3A_329 : vector<1x16xf32> to vector<16xf32>
        %get3A_331 = arith.index_cast %add3A_216 : i32 to index
        %get3A_332 = arith.constant 112 : index
        %get3A_333 = tpu.vector_load %arg12[%get3A_331, %get3A_332] {strides = array<i32>} : memref<100x128xf32, #tpu.memory_space<vmem>>, vector<1x16xf32>,
        %get3A_334 = vector.shape_cast %get3A_333 : vector<1x16xf32> to vector<16xf32>
        %add3A_335 = arith.addf %get3A_330, %get3A_334 : vector<16xf32>
        %add3A_336 = arith.constant 100 : i32
        %add3A_337 = arith.addi %add3A_216, %add3A_336 : i32
        %swap3A_338 = arith.index_cast %add3A_337 : i32 to index
        %swap3A_339 = arith.constant 48 : index
        %swap3A_340 = tpu.vector_load %arg10[%swap3A_338, %swap3A_339] {strides = array<i32>} : memref<200x64xf32, #tpu.memory_space<vmem>>, vector<1x16xf32>,
        %swap3A_341 = vector.shape_cast %swap3A_340 : vector<1x16xf32> to vector<16xf32>
        %swap3A_342 = vector.shape_cast %add3A_335 : vector<16xf32> to vector<1x16xf32>
        tpu.vector_store %arg10[%swap3A_338, %swap3A_339], %swap3A_342 {strides = array<i32>} : memref<200x64xf32, #tpu.memory_space<vmem>>, vector<1x16xf32>,
        %mul3A_343 = arith.constant 2 : i32
        %mul3A_344 = arith.muli %mul3A_343, %scan3A_212 : i32
        %add3A_345 = arith.constant 1 : i32
        %add3A_346 = arith.addi %mul3A_344, %add3A_345 : i32
        %get3A_347 = arith.index_cast %add3A_346 : i32 to index
        %get3A_348 = arith.constant 0 : index
        %get3A_349 = tpu.vector_load %arg8[%get3A_347, %get3A_348] {strides = array<i32>} : memref<200x128xf32, #tpu.memory_space<vmem>>, vector<1x16xf32>,
        %get3A_350 = vector.shape_cast %get3A_349 : vector<1x16xf32> to vector<16xf32>
        %get3A_351 = arith.index_cast %add3A_346 : i32 to index
        %get3A_352 = arith.constant 0 : index
        %get3A_353 = tpu.vector_load %arg12[%get3A_351, %get3A_352] {strides = array<i32>} : memref<100x128xf32, #tpu.memory_space<vmem>>, vector<1x16xf32>,
        %get3A_354 = vector.shape_cast %get3A_353 : vector<1x16xf32> to vector<16xf32>
        %add3A_355 = arith.addf %get3A_350, %get3A_354 : vector<16xf32>
        %swap3A_356 = arith.index_cast %add3A_346 : i32 to index
        %swap3A_357 = arith.constant 0 : index
        %swap3A_358 = tpu.vector_load %arg10[%swap3A_356, %swap3A_357] {strides = array<i32>} : memref<200x64xf32, #tpu.memory_space<vmem>>, vector<1x16xf32>,
        %swap3A_359 = vector.shape_cast %swap3A_358 : vector<1x16xf32> to vector<16xf32>
        %swap3A_360 = vector.shape_cast %add3A_355 : vector<16xf32> to vector<1x16xf32>
        tpu.vector_store %arg10[%swap3A_356, %swap3A_357], %swap3A_360 {strides = array<i32>} : memref<200x64xf32, #tpu.memory_space<vmem>>, vector<1x16xf32>,
        %add3A_361 = arith.constant 100 : i32
        %add3A_362 = arith.addi %add3A_346, %add3A_361 : i32
        %get3A_363 = arith.index_cast %add3A_362 : i32 to index
        %get3A_364 = arith.constant 0 : index
        %get3A_365 = tpu.vector_load %arg8[%get3A_363, %get3A_364] {strides = array<i32>} : memref<200x128xf32, #tpu.memory_space<vmem>>, vector<1x16xf32>,
        %get3A_366 = vector.shape_cast %get3A_365 : vector<1x16xf32> to vector<16xf32>
        %get3A_367 = arith.index_cast %add3A_346 : i32 to index
        %get3A_368 = arith.constant 64 : index
        %get3A_369 = tpu.vector_load %arg12[%get3A_367, %get3A_368] {strides = array<i32>} : memref<100x128xf32, #tpu.memory_space<vmem>>, vector<1x16xf32>,
        %get3A_370 = vector.shape_cast %get3A_369 : vector<1x16xf32> to vector<16xf32>
        %add3A_371 = arith.addf %get3A_366, %get3A_370 : vector<16xf32>
        %add3A_372 = arith.constant 100 : i32
        %add3A_373 = arith.addi %add3A_346, %add3A_372 : i32
        %swap3A_374 = arith.index_cast %add3A_373 : i32 to index
        %swap3A_375 = arith.constant 0 : index
        %swap3A_376 = tpu.vector_load %arg10[%swap3A_374, %swap3A_375] {strides = array<i32>} : memref<200x64xf32, #tpu.memory_space<vmem>>, vector<1x16xf32>,
        %swap3A_377 = vector.shape_cast %swap3A_376 : vector<1x16xf32> to vector<16xf32>
        %swap3A_378 = vector.shape_cast %add3A_371 : vector<16xf32> to vector<1x16xf32>
        tpu.vector_store %arg10[%swap3A_374, %swap3A_375], %swap3A_378 {strides = array<i32>} : memref<200x64xf32, #tpu.memory_space<vmem>>, vector<1x16xf32>,
        %get3A_379 = arith.index_cast %add3A_346 : i32 to index
        %get3A_380 = arith.constant 16 : index
        %get3A_381 = tpu.vector_load %arg8[%get3A_379, %get3A_380] {strides = array<i32>} : memref<200x128xf32, #tpu.memory_space<vmem>>, vector<1x16xf32>,
        %get3A_382 = vector.shape_cast %get3A_381 : vector<1x16xf32> to vector<16xf32>
        %get3A_383 = arith.index_cast %add3A_346 : i32 to index
        %get3A_384 = arith.constant 16 : index
        %get3A_385 = tpu.vector_load %arg12[%get3A_383, %get3A_384] {strides = array<i32>} : memref<100x128xf32, #tpu.memory_space<vmem>>, vector<1x16xf32>,
        %get3A_386 = vector.shape_cast %get3A_385 : vector<1x16xf32> to vector<16xf32>
        %add3A_387 = arith.addf %get3A_382, %get3A_386 : vector<16xf32>
        %swap3A_388 = arith.index_cast %add3A_346 : i32 to index
        %swap3A_389 = arith.constant 16 : index
        %swap3A_390 = tpu.vector_load %arg10[%swap3A_388, %swap3A_389] {strides = array<i32>} : memref<200x64xf32, #tpu.memory_space<vmem>>, vector<1x16xf32>,
        %swap3A_391 = vector.shape_cast %swap3A_390 : vector<1x16xf32> to vector<16xf32>
        %swap3A_392 = vector.shape_cast %add3A_387 : vector<16xf32> to vector<1x16xf32>
        tpu.vector_store %arg10[%swap3A_388, %swap3A_389], %swap3A_392 {strides = array<i32>} : memref<200x64xf32, #tpu.memory_space<vmem>>, vector<1x16xf32>,
        %add3A_393 = arith.constant 100 : i32
        %add3A_394 = arith.addi %add3A_346, %add3A_393 : i32
        %get3A_395 = arith.index_cast %add3A_394 : i32 to index
        %get3A_396 = arith.constant 16 : index
        %get3A_397 = tpu.vector_load %arg8[%get3A_395, %get3A_396] {strides = array<i32>} : memref<200x128xf32, #tpu.memory_space<vmem>>, vector<1x16xf32>,
        %get3A_398 = vector.shape_cast %get3A_397 : vector<1x16xf32> to vector<16xf32>
        %get3A_399 = arith.index_cast %add3A_346 : i32 to index
        %get3A_400 = arith.constant 80 : index
        %get3A_401 = tpu.vector_load %arg12[%get3A_399, %get3A_400] {strides = array<i32>} : memref<100x128xf32, #tpu.memory_space<vmem>>, vector<1x16xf32>,
        %get3A_402 = vector.shape_cast %get3A_401 : vector<1x16xf32> to vector<16xf32>
        %add3A_403 = arith.addf %get3A_398, %get3A_402 : vector<16xf32>
        %add3A_404 = arith.constant 100 : i32
        %add3A_405 = arith.addi %add3A_346, %add3A_404 : i32
        %swap3A_406 = arith.index_cast %add3A_405 : i32 to index
        %swap3A_407 = arith.constant 16 : index
        %swap3A_408 = tpu.vector_load %arg10[%swap3A_406, %swap3A_407] {strides = array<i32>} : memref<200x64xf32, #tpu.memory_space<vmem>>, vector<1x16xf32>,
        %swap3A_409 = vector.shape_cast %swap3A_408 : vector<1x16xf32> to vector<16xf32>
        %swap3A_410 = vector.shape_cast %add3A_403 : vector<16xf32> to vector<1x16xf32>
        tpu.vector_store %arg10[%swap3A_406, %swap3A_407], %swap3A_410 {strides = array<i32>} : memref<200x64xf32, #tpu.memory_space<vmem>>, vector<1x16xf32>,
        %get3A_411 = arith.index_cast %add3A_346 : i32 to index
        %get3A_412 = arith.constant 32 : index
        %get3A_413 = tpu.vector_load %arg8[%get3A_411, %get3A_412] {strides = array<i32>} : memref<200x128xf32, #tpu.memory_space<vmem>>, vector<1x16xf32>,
        %get3A_414 = vector.shape_cast %get3A_413 : vector<1x16xf32> to vector<16xf32>
        %get3A_415 = arith.index_cast %add3A_346 : i32 to index
        %get3A_416 = arith.constant 32 : index
        %get3A_417 = tpu.vector_load %arg12[%get3A_415, %get3A_416] {strides = array<i32>} : memref<100x128xf32, #tpu.memory_space<vmem>>, vector<1x16xf32>,
        %get3A_418 = vector.shape_cast %get3A_417 : vector<1x16xf32> to vector<16xf32>
        %add3A_419 = arith.addf %get3A_414, %get3A_418 : vector<16xf32>
        %swap3A_420 = arith.index_cast %add3A_346 : i32 to index
        %swap3A_421 = arith.constant 32 : index
        %swap3A_422 = tpu.vector_load %arg10[%swap3A_420, %swap3A_421] {strides = array<i32>} : memref<200x64xf32, #tpu.memory_space<vmem>>, vector<1x16xf32>,
        %swap3A_423 = vector.shape_cast %swap3A_422 : vector<1x16xf32> to vector<16xf32>
        %swap3A_424 = vector.shape_cast %add3A_419 : vector<16xf32> to vector<1x16xf32>
        tpu.vector_store %arg10[%swap3A_420, %swap3A_421], %swap3A_424 {strides = array<i32>} : memref<200x64xf32, #tpu.memory_space<vmem>>, vector<1x16xf32>,
        %add3A_425 = arith.constant 100 : i32
        %add3A_426 = arith.addi %add3A_346, %add3A_425 : i32
        %get3A_427 = arith.index_cast %add3A_426 : i32 to index
        %get3A_428 = arith.constant 32 : index
        %get3A_429 = tpu.vector_load %arg8[%get3A_427, %get3A_428] {strides = array<i32>} : memref<200x128xf32, #tpu.memory_space<vmem>>, vector<1x16xf32>,
        %get3A_430 = vector.shape_cast %get3A_429 : vector<1x16xf32> to vector<16xf32>
        %get3A_431 = arith.index_cast %add3A_346 : i32 to index
        %get3A_432 = arith.constant 96 : index
        %get3A_433 = tpu.vector_load %arg12[%get3A_431, %get3A_432] {strides = array<i32>} : memref<100x128xf32, #tpu.memory_space<vmem>>, vector<1x16xf32>,
        %get3A_434 = vector.shape_cast %get3A_433 : vector<1x16xf32> to vector<16xf32>
        %add3A_435 = arith.addf %get3A_430, %get3A_434 : vector<16xf32>
        %add3A_436 = arith.constant 100 : i32
        %add3A_437 = arith.addi %add3A_346, %add3A_436 : i32
        %swap3A_438 = arith.index_cast %add3A_437 : i32 to index
        %swap3A_439 = arith.constant 32 : index
        %swap3A_440 = tpu.vector_load %arg10[%swap3A_438, %swap3A_439] {strides = array<i32>} : memref<200x64xf32, #tpu.memory_space<vmem>>, vector<1x16xf32>,
        %swap3A_441 = vector.shape_cast %swap3A_440 : vector<1x16xf32> to vector<16xf32>
        %swap3A_442 = vector.shape_cast %add3A_435 : vector<16xf32> to vector<1x16xf32>
        tpu.vector_store %arg10[%swap3A_438, %swap3A_439], %swap3A_442 {strides = array<i32>} : memref<200x64xf32, #tpu.memory_space<vmem>>, vector<1x16xf32>,
        %get3A_443 = arith.index_cast %add3A_346 : i32 to index
        %get3A_444 = arith.constant 48 : index
        %get3A_445 = tpu.vector_load %arg8[%get3A_443, %get3A_444] {strides = array<i32>} : memref<200x128xf32, #tpu.memory_space<vmem>>, vector<1x16xf32>,
        %get3A_446 = vector.shape_cast %get3A_445 : vector<1x16xf32> to vector<16xf32>
        %get3A_447 = arith.index_cast %add3A_346 : i32 to index
        %get3A_448 = arith.constant 48 : index
        %get3A_449 = tpu.vector_load %arg12[%get3A_447, %get3A_448] {strides = array<i32>} : memref<100x128xf32, #tpu.memory_space<vmem>>, vector<1x16xf32>,
        %get3A_450 = vector.shape_cast %get3A_449 : vector<1x16xf32> to vector<16xf32>
        %add3A_451 = arith.addf %get3A_446, %get3A_450 : vector<16xf32>
        %swap3A_452 = arith.index_cast %add3A_346 : i32 to index
        %swap3A_453 = arith.constant 48 : index
        %swap3A_454 = tpu.vector_load %arg10[%swap3A_452, %swap3A_453] {strides = array<i32>} : memref<200x64xf32, #tpu.memory_space<vmem>>, vector<1x16xf32>,
        %swap3A_455 = vector.shape_cast %swap3A_454 : vector<1x16xf32> to vector<16xf32>
        %swap3A_456 = vector.shape_cast %add3A_451 : vector<16xf32> to vector<1x16xf32>
        tpu.vector_store %arg10[%swap3A_452, %swap3A_453], %swap3A_456 {strides = array<i32>} : memref<200x64xf32, #tpu.memory_space<vmem>>, vector<1x16xf32>,
        %add3A_457 = arith.constant 100 : i32
        %add3A_458 = arith.addi %add3A_346, %add3A_457 : i32
        %get3A_459 = arith.index_cast %add3A_458 : i32 to index
        %get3A_460 = arith.constant 48 : index
        %get3A_461 = tpu.vector_load %arg8[%get3A_459, %get3A_460] {strides = array<i32>} : memref<200x128xf32, #tpu.memory_space<vmem>>, vector<1x16xf32>,
        %get3A_462 = vector.shape_cast %get3A_461 : vector<1x16xf32> to vector<16xf32>
        %get3A_463 = arith.index_cast %add3A_346 : i32 to index
        %get3A_464 = arith.constant 112 : index
        %get3A_465 = tpu.vector_load %arg12[%get3A_463, %get3A_464] {strides = array<i32>} : memref<100x128xf32, #tpu.memory_space<vmem>>, vector<1x16xf32>,
        %get3A_466 = vector.shape_cast %get3A_465 : vector<1x16xf32> to vector<16xf32>
        %add3A_467 = arith.addf %get3A_462, %get3A_466 : vector<16xf32>
        %add3A_468 = arith.constant 100 : i32
        %add3A_469 = arith.addi %add3A_346, %add3A_468 : i32
        %swap3A_470 = arith.index_cast %add3A_469 : i32 to index
        %swap3A_471 = arith.constant 48 : index
        %swap3A_472 = tpu.vector_load %arg10[%swap3A_470, %swap3A_471] {strides = array<i32>} : memref<200x64xf32, #tpu.memory_space<vmem>>, vector<1x16xf32>,
        %swap3A_473 = vector.shape_cast %swap3A_472 : vector<1x16xf32> to vector<16xf32>
        %swap3A_474 = vector.shape_cast %add3A_467 : vector<16xf32> to vector<1x16xf32>
        tpu.vector_store %arg10[%swap3A_470, %swap3A_471], %swap3A_474 {strides = array<i32>} : memref<200x64xf32, #tpu.memory_space<vmem>>, vector<1x16xf32>,
      }
      %scan3A_118 = arith.constant 50 : i32
      %add3A_119 = arith.addi %mul3A_2, %add3A_72 : i32
      %dma_start3A_120 = arith.constant 0 : i32
      %dma_start3A_121 = arith.constant 0 : i32
      %dma_start3A_122 = tpu.memref_slice %arg5[%add3A_119, %dma_start3A_120, %dma_start3A_121] : memref<4096x200x64xf32, #tpu.memory_space<hbm>> -> memref<1x200x64xf32, #tpu.memory_space<hbm>>
      %dma_start3A_123 = tpu.memref_squeeze %dma_start3A_122 : memref<1x200x64xf32, #tpu.memory_space<hbm>> -> memref<200x64xf32, #tpu.memory_space<hbm>>
      %dma_start3A_124 = arith.constant 0 : i32
      %dma_start3A_125 = arith.constant 0 : i32
      %dma_start3A_126 = tpu.memref_slice %arg5[%add3A_119, %dma_start3A_124, %dma_start3A_125] : memref<4096x200x64xf32, #tpu.memory_space<hbm>> -> memref<1x200x64xf32, #tpu.memory_space<hbm>>
      %dma_start3A_127 = tpu.memref_squeeze %dma_start3A_126 : memref<1x200x64xf32, #tpu.memory_space<hbm>> -> memref<200x64xf32, #tpu.memory_space<hbm>>
      tpu.enqueue_dma source(%arg10 : memref<200x64xf32, #tpu.memory_space<vmem>>) target(%dma_start3A_127 : memref<200x64xf32, #tpu.memory_space<hbm>>) target_semaphore(%arg15 : memref<!tpu.dma_semaphore, #tpu.memory_space<semaphore_mem>>)
      %add3A_128 = arith.constant 2 : i32
      %add3A_129 = arith.addi %add3A_72, %add3A_128 : i32
      %lt3A = arith.constant 128 : i32
      %lt3A_130 = arith.cmpi slt, %add3A_129, %lt3A : i32
      %convert_element_type3A = arith.extui %lt3A_130 : i1 to i32
      %cond3A = arith.constant 0 : i32
      %cond3A_131 = arith.cmpi ne, %convert_element_type3A, %cond3A : i32
      scf.if %cond3A_131 {
        %add3A_212 = arith.addi %mul3A_2, %add3A_72 : i32
        %add3A_213 = arith.constant 2 : i32
        %add3A_214 = arith.addi %add3A_212, %add3A_213 : i32
        "tpu.region"() ({
          %run_scoped3A = tpu.sem_alloc : memref<!tpu.dma_semaphore, #tpu.memory_space<semaphore_mem>>
          %dma_start3A_215 = arith.constant 0 : i32
          %dma_start3A_216 = tpu.memref_slice %arg2[%add3A_214, %dma_start3A_215] : memref<4096x200xi32, #tpu.memory_space<hbm>> -> memref<1x200xi32, #tpu.memory_space<hbm>>
          %dma_start3A_217 = tpu.memref_squeeze %dma_start3A_216 : memref<1x200xi32, #tpu.memory_space<hbm>> -> memref<200xi32, #tpu.memory_space<hbm>>
          %dma_start3A_218 = arith.constant 0 : i32
          %dma_start3A_219 = tpu.memref_slice %arg2[%add3A_214, %dma_start3A_218] : memref<4096x200xi32, #tpu.memory_space<hbm>> -> memref<1x200xi32, #tpu.memory_space<hbm>>
          %dma_start3A_220 = tpu.memref_squeeze %dma_start3A_219 : memref<1x200xi32, #tpu.memory_space<hbm>> -> memref<200xi32, #tpu.memory_space<hbm>>
          tpu.enqueue_dma source(%dma_start3A_220 : memref<200xi32, #tpu.memory_space<hbm>>) target(%arg6 : memref<200xi32, #tpu.memory_space<vmem>>) target_semaphore(%run_scoped3A : memref<!tpu.dma_semaphore, #tpu.memory_space<semaphore_mem>>)
          %dma_wait3A_221 = arith.constant 0 : i32
          %dma_wait3A_222 = tpu.memref_slice %arg2[%add3A_214, %dma_wait3A_221] : memref<4096x200xi32, #tpu.memory_space<hbm>> -> memref<1x200xi32, #tpu.memory_space<hbm>>
          %dma_wait3A_223 = tpu.memref_squeeze %dma_wait3A_222 : memref<1x200xi32, #tpu.memory_space<hbm>> -> memref<200xi32, #tpu.memory_space<hbm>>
          %dma_wait3A_224 = arith.constant 0 : i32
          %dma_wait3A_225 = tpu.memref_slice %arg2[%add3A_214, %dma_wait3A_224] : memref<4096x200xi32, #tpu.memory_space<hbm>> -> memref<1x200xi32, #tpu.memory_space<hbm>>
          %dma_wait3A_226 = tpu.memref_squeeze %dma_wait3A_225 : memref<1x200xi32, #tpu.memory_space<hbm>> -> memref<200xi32, #tpu.memory_space<hbm>>
          tpu.wait_dma2 semaphore(%run_scoped3A : memref<!tpu.dma_semaphore, #tpu.memory_space<semaphore_mem>>) src(%dma_wait3A_226 : memref<200xi32, #tpu.memory_space<hbm>>) dst(%arg6 : memref<200xi32, #tpu.memory_space<vmem>>)
          tpu.yield
        }) : () -> ()
      } else {
      }
      %add3A_132 = arith.constant 1 : i32
      %add3A_133 = arith.addi %add3A_72, %add3A_132 : i32
      %lt3A_134 = arith.constant 128 : i32
      %lt3A_135 = arith.cmpi slt, %add3A_133, %lt3A_134 : i32
      %convert_element_type3A_136 = arith.extui %lt3A_135 : i1 to i32
      %cond3A_137 = arith.constant 0 : i32
      %cond3A_138 = arith.cmpi ne, %convert_element_type3A_136, %cond3A_137 : i32
      scf.if %cond3A_138 {
        %ge3A = arith.constant 1 : i32
        %ge3A_212 = arith.cmpi sge, %add3A_72, %ge3A : i32
        %convert_element_type3A_213 = arith.extui %ge3A_212 : i1 to i32
        %cond3A_214 = arith.constant 0 : i32
        %cond3A_215 = arith.cmpi ne, %convert_element_type3A_213, %cond3A_214 : i32
        scf.if %cond3A_215 {
          %sub3A = arith.constant 1 : i32
          %sub3A_256 = arith.subi %add3A_72, %sub3A : i32
          %add3A_257 = arith.addi %mul3A_2, %sub3A_256 : i32
          %dma_wait3A_258 = arith.constant 0 : i32
          %dma_wait3A_259 = arith.constant 0 : i32
          %dma_wait3A_260 = tpu.memref_slice %arg5[%add3A_257, %dma_wait3A_258, %dma_wait3A_259] : memref<4096x200x64xf32, #tpu.memory_space<hbm>> -> memref<1x200x64xf32, #tpu.memory_space<hbm>>
          %dma_wait3A_261 = tpu.memref_squeeze %dma_wait3A_260 : memref<1x200x64xf32, #tpu.memory_space<hbm>> -> memref<200x64xf32, #tpu.memory_space<hbm>>
          %dma_wait3A_262 = arith.constant 0 : i32
          %dma_wait3A_263 = arith.constant 0 : i32
          %dma_wait3A_264 = tpu.memref_slice %arg5[%add3A_257, %dma_wait3A_262, %dma_wait3A_263] : memref<4096x200x64xf32, #tpu.memory_space<hbm>> -> memref<1x200x64xf32, #tpu.memory_space<hbm>>
          %dma_wait3A_265 = tpu.memref_squeeze %dma_wait3A_264 : memref<1x200x64xf32, #tpu.memory_space<hbm>> -> memref<200x64xf32, #tpu.memory_space<hbm>>
          tpu.wait_dma2 semaphore(%arg16 : memref<!tpu.dma_semaphore, #tpu.memory_space<semaphore_mem>>) src(%arg11 : memref<200x64xf32, #tpu.memory_space<vmem>>) dst(%dma_wait3A_265 : memref<200x64xf32, #tpu.memory_space<hbm>>)
        } else {
        }
        %dma_start3A_216 = arith.constant 0 : i32
        %dma_start3A_217 = arith.constant 0 : i32
        %dma_start3A_218 = tpu.memref_slice %arg9[%dma_start3A_216, %dma_start3A_217] : memref<200x128xf32, #tpu.memory_space<vmem>> -> memref<40x128xf32, #tpu.memory_space<vmem>>
        %dma_start3A_219 = arith.constant 0 : i32
        %dma_start3A_220 = tpu.memref_slice %arg7[%dma_start3A_219] : memref<200xi32, #tpu.memory_space<vmem>> -> memref<40xi32, #tpu.memory_space<vmem>>
        %dma_start3A_221 = arith.constant 0 : i32
        %dma_start3A_222 = arith.constant 0 : i32
        %dma_start3A_223 = tpu.memref_slice %arg3[%dma_start3A_221, %dma_start3A_222] : memref<100000x128xf32, #tpu.memory_space<hbm>> -> memref<100000x128xf32, #tpu.memory_space<hbm>>
        tpu.enqueue_indirect_dma source(%dma_start3A_223 : memref<100000x128xf32, #tpu.memory_space<hbm>>) target(%dma_start3A_218 : memref<40x128xf32, #tpu.memory_space<vmem>>) offsets(%dma_start3A_220 : memref<40xi32, #tpu.memory_space<vmem>>) semaphore(%arg14 : memref<!tpu.dma_semaphore, #tpu.memory_space<semaphore_mem>>)
        %dma_start3A_224 = arith.constant 40 : i32
        %dma_start3A_225 = arith.constant 0 : i32
        %dma_start3A_226 = tpu.memref_slice %arg9[%dma_start3A_224, %dma_start3A_225] : memref<200x128xf32, #tpu.memory_space<vmem>> -> memref<40x128xf32, #tpu.memory_space<vmem>>
        %dma_start3A_227 = arith.constant 40 : i32
        %dma_start3A_228 = tpu.memref_slice %arg7[%dma_start3A_227] : memref<200xi32, #tpu.memory_space<vmem>> -> memref<40xi32, #tpu.memory_space<vmem>>
        %dma_start3A_229 = arith.constant 0 : i32
        %dma_start3A_230 = arith.constant 0 : i32
        %dma_start3A_231 = tpu.memref_slice %arg3[%dma_start3A_229, %dma_start3A_230] : memref<100000x128xf32, #tpu.memory_space<hbm>> -> memref<100000x128xf32, #tpu.memory_space<hbm>>
        tpu.enqueue_indirect_dma source(%dma_start3A_231 : memref<100000x128xf32, #tpu.memory_space<hbm>>) target(%dma_start3A_226 : memref<40x128xf32, #tpu.memory_space<vmem>>) offsets(%dma_start3A_228 : memref<40xi32, #tpu.memory_space<vmem>>) semaphore(%arg14 : memref<!tpu.dma_semaphore, #tpu.memory_space<semaphore_mem>>)
        %dma_start3A_232 = arith.constant 80 : i32
        %dma_start3A_233 = arith.constant 0 : i32
        %dma_start3A_234 = tpu.memref_slice %arg9[%dma_start3A_232, %dma_start3A_233] : memref<200x128xf32, #tpu.memory_space<vmem>> -> memref<40x128xf32, #tpu.memory_space<vmem>>
        %dma_start3A_235 = arith.constant 80 : i32
        %dma_start3A_236 = tpu.memref_slice %arg7[%dma_start3A_235] : memref<200xi32, #tpu.memory_space<vmem>> -> memref<40xi32, #tpu.memory_space<vmem>>
        %dma_start3A_237 = arith.constant 0 : i32
        %dma_start3A_238 = arith.constant 0 : i32
        %dma_start3A_239 = tpu.memref_slice %arg3[%dma_start3A_237, %dma_start3A_238] : memref<100000x128xf32, #tpu.memory_space<hbm>> -> memref<100000x128xf32, #tpu.memory_space<hbm>>
        tpu.enqueue_indirect_dma source(%dma_start3A_239 : memref<100000x128xf32, #tpu.memory_space<hbm>>) target(%dma_start3A_234 : memref<40x128xf32, #tpu.memory_space<vmem>>) offsets(%dma_start3A_236 : memref<40xi32, #tpu.memory_space<vmem>>) semaphore(%arg14 : memref<!tpu.dma_semaphore, #tpu.memory_space<semaphore_mem>>)
        %dma_start3A_240 = arith.constant 120 : i32
        %dma_start3A_241 = arith.constant 0 : i32
        %dma_start3A_242 = tpu.memref_slice %arg9[%dma_start3A_240, %dma_start3A_241] : memref<200x128xf32, #tpu.memory_space<vmem>> -> memref<40x128xf32, #tpu.memory_space<vmem>>
        %dma_start3A_243 = arith.constant 120 : i32
        %dma_start3A_244 = tpu.memref_slice %arg7[%dma_start3A_243] : memref<200xi32, #tpu.memory_space<vmem>> -> memref<40xi32, #tpu.memory_space<vmem>>
        %dma_start3A_245 = arith.constant 0 : i32
        %dma_start3A_246 = arith.constant 0 : i32
        %dma_start3A_247 = tpu.memref_slice %arg3[%dma_start3A_245, %dma_start3A_246] : memref<100000x128xf32, #tpu.memory_space<hbm>> -> memref<100000x128xf32, #tpu.memory_space<hbm>>
        tpu.enqueue_indirect_dma source(%dma_start3A_247 : memref<100000x128xf32, #tpu.memory_space<hbm>>) target(%dma_start3A_242 : memref<40x128xf32, #tpu.memory_space<vmem>>) offsets(%dma_start3A_244 : memref<40xi32, #tpu.memory_space<vmem>>) semaphore(%arg14 : memref<!tpu.dma_semaphore, #tpu.memory_space<semaphore_mem>>)
        %dma_start3A_248 = arith.constant 160 : i32
        %dma_start3A_249 = arith.constant 0 : i32
        %dma_start3A_250 = tpu.memref_slice %arg9[%dma_start3A_248, %dma_start3A_249] : memref<200x128xf32, #tpu.memory_space<vmem>> -> memref<40x128xf32, #tpu.memory_space<vmem>>
        %dma_start3A_251 = arith.constant 160 : i32
        %dma_start3A_252 = tpu.memref_slice %arg7[%dma_start3A_251] : memref<200xi32, #tpu.memory_space<vmem>> -> memref<40xi32, #tpu.memory_space<vmem>>
        %dma_start3A_253 = arith.constant 0 : i32
        %dma_start3A_254 = arith.constant 0 : i32
        %dma_start3A_255 = tpu.memref_slice %arg3[%dma_start3A_253, %dma_start3A_254] : memref<100000x128xf32, #tpu.memory_space<hbm>> -> memref<100000x128xf32, #tpu.memory_space<hbm>>
        tpu.enqueue_indirect_dma source(%dma_start3A_255 : memref<100000x128xf32, #tpu.memory_space<hbm>>) target(%dma_start3A_250 : memref<40x128xf32, #tpu.memory_space<vmem>>) offsets(%dma_start3A_252 : memref<40xi32, #tpu.memory_space<vmem>>) semaphore(%arg14 : memref<!tpu.dma_semaphore, #tpu.memory_space<semaphore_mem>>)
      } else {
      }
      %mul3A_139 = arith.constant 2 : i32
      %mul3A_140 = arith.muli %scan3A_68, %mul3A_139 : i32
      %add3A_141 = arith.constant 1 : i32
      %add3A_142 = arith.addi %mul3A_140, %add3A_141 : i32
      %dma_wait3A_143 = arith.constant 0 : i32
      %dma_wait3A_144 = arith.constant 0 : i32
      %dma_wait3A_145 = tpu.memref_slice %arg9[%dma_wait3A_143, %dma_wait3A_144] : memref<200x128xf32, #tpu.memory_space<vmem>> -> memref<40x128xf32, #tpu.memory_space<vmem>>
      %dma_wait3A_146 = arith.constant 0 : i32
      %dma_wait3A_147 = tpu.memref_slice %arg7[%dma_wait3A_146] : memref<200xi32, #tpu.memory_space<vmem>> -> memref<40xi32, #tpu.memory_space<vmem>>
      %dma_wait3A_148 = arith.constant 0 : i32
      %dma_wait3A_149 = arith.constant 0 : i32
      %dma_wait3A_150 = tpu.memref_slice %arg3[%dma_wait3A_148, %dma_wait3A_149] : memref<100000x128xf32, #tpu.memory_space<hbm>> -> memref<100000x128xf32, #tpu.memory_space<hbm>>
      tpu.wait_indirect_dma semaphore(%arg14 : memref<!tpu.dma_semaphore, #tpu.memory_space<semaphore_mem>>) src(%dma_wait3A_150 : memref<100000x128xf32, #tpu.memory_space<hbm>>) dst(%dma_wait3A_145 : memref<40x128xf32, #tpu.memory_space<vmem>>)
      %dma_wait3A_151 = arith.constant 40 : i32
      %dma_wait3A_152 = arith.constant 0 : i32
      %dma_wait3A_153 = tpu.memref_slice %arg9[%dma_wait3A_151, %dma_wait3A_152] : memref<200x128xf32, #tpu.memory_space<vmem>> -> memref<40x128xf32, #tpu.memory_space<vmem>>
      %dma_wait3A_154 = arith.constant 40 : i32
      %dma_wait3A_155 = tpu.memref_slice %arg7[%dma_wait3A_154] : memref<200xi32, #tpu.memory_space<vmem>> -> memref<40xi32, #tpu.memory_space<vmem>>
      %dma_wait3A_156 = arith.constant 0 : i32
      %dma_wait3A_157 = arith.constant 0 : i32
      %dma_wait3A_158 = tpu.memref_slice %arg3[%dma_wait3A_156, %dma_wait3A_157] : memref<100000x128xf32, #tpu.memory_space<hbm>> -> memref<100000x128xf32, #tpu.memory_space<hbm>>
      tpu.wait_indirect_dma semaphore(%arg14 : memref<!tpu.dma_semaphore, #tpu.memory_space<semaphore_mem>>) src(%dma_wait3A_158 : memref<100000x128xf32, #tpu.memory_space<hbm>>) dst(%dma_wait3A_153 : memref<40x128xf32, #tpu.memory_space<vmem>>)
      %dma_wait3A_159 = arith.constant 80 : i32
      %dma_wait3A_160 = arith.constant 0 : i32
      %dma_wait3A_161 = tpu.memref_slice %arg9[%dma_wait3A_159, %dma_wait3A_160] : memref<200x128xf32, #tpu.memory_space<vmem>> -> memref<40x128xf32, #tpu.memory_space<vmem>>
      %dma_wait3A_162 = arith.constant 80 : i32
      %dma_wait3A_163 = tpu.memref_slice %arg7[%dma_wait3A_162] : memref<200xi32, #tpu.memory_space<vmem>> -> memref<40xi32, #tpu.memory_space<vmem>>
      %dma_wait3A_164 = arith.constant 0 : i32
      %dma_wait3A_165 = arith.constant 0 : i32
      %dma_wait3A_166 = tpu.memref_slice %arg3[%dma_wait3A_164, %dma_wait3A_165] : memref<100000x128xf32, #tpu.memory_space<hbm>> -> memref<100000x128xf32, #tpu.memory_space<hbm>>
      tpu.wait_indirect_dma semaphore(%arg14 : memref<!tpu.dma_semaphore, #tpu.memory_space<semaphore_mem>>) src(%dma_wait3A_166 : memref<100000x128xf32, #tpu.memory_space<hbm>>) dst(%dma_wait3A_161 : memref<40x128xf32, #tpu.memory_space<vmem>>)
      %dma_wait3A_167 = arith.constant 120 : i32
      %dma_wait3A_168 = arith.constant 0 : i32
      %dma_wait3A_169 = tpu.memref_slice %arg9[%dma_wait3A_167, %dma_wait3A_168] : memref<200x128xf32, #tpu.memory_space<vmem>> -> memref<40x128xf32, #tpu.memory_space<vmem>>
      %dma_wait3A_170 = arith.constant 120 : i32
      %dma_wait3A_171 = tpu.memref_slice %arg7[%dma_wait3A_170] : memref<200xi32, #tpu.memory_space<vmem>> -> memref<40xi32, #tpu.memory_space<vmem>>
      %dma_wait3A_172 = arith.constant 0 : i32
      %dma_wait3A_173 = arith.constant 0 : i32
      %dma_wait3A_174 = tpu.memref_slice %arg3[%dma_wait3A_172, %dma_wait3A_173] : memref<100000x128xf32, #tpu.memory_space<hbm>> -> memref<100000x128xf32, #tpu.memory_space<hbm>>
      tpu.wait_indirect_dma semaphore(%arg14 : memref<!tpu.dma_semaphore, #tpu.memory_space<semaphore_mem>>) src(%dma_wait3A_174 : memref<100000x128xf32, #tpu.memory_space<hbm>>) dst(%dma_wait3A_169 : memref<40x128xf32, #tpu.memory_space<vmem>>)
      %dma_wait3A_175 = arith.constant 160 : i32
      %dma_wait3A_176 = arith.constant 0 : i32
      %dma_wait3A_177 = tpu.memref_slice %arg9[%dma_wait3A_175, %dma_wait3A_176] : memref<200x128xf32, #tpu.memory_space<vmem>> -> memref<40x128xf32, #tpu.memory_space<vmem>>
      %dma_wait3A_178 = arith.constant 160 : i32
      %dma_wait3A_179 = tpu.memref_slice %arg7[%dma_wait3A_178] : memref<200xi32, #tpu.memory_space<vmem>> -> memref<40xi32, #tpu.memory_space<vmem>>
      %dma_wait3A_180 = arith.constant 0 : i32
      %dma_wait3A_181 = arith.constant 0 : i32
      %dma_wait3A_182 = tpu.memref_slice %arg3[%dma_wait3A_180, %dma_wait3A_181] : memref<100000x128xf32, #tpu.memory_space<hbm>> -> memref<100000x128xf32, #tpu.memory_space<hbm>>
      tpu.wait_indirect_dma semaphore(%arg14 : memref<!tpu.dma_semaphore, #tpu.memory_space<semaphore_mem>>) src(%dma_wait3A_182 : memref<100000x128xf32, #tpu.memory_space<hbm>>) dst(%dma_wait3A_177 : memref<40x128xf32, #tpu.memory_space<vmem>>)
      %scan3A_183 = arith.constant 0 : i32
      %scan3A_184 = arith.constant 0 : i32
      %scan3A_185 = arith.constant 50 : i32
      %scan3A_186 = arith.addi %scan3A_184, %scan3A_185 : i32
      %scan3A_187 = arith.constant 1 : i32
      scf.for %scan3A_212 = %scan3A_184 to %scan3A_186 step %scan3A_187  : i32 {
        %mul3A_213 = arith.constant 2 : i32
        %mul3A_214 = arith.muli %mul3A_213, %scan3A_212 : i32
        %add3A_215 = arith.constant 0 : i32
        %add3A_216 = arith.addi %mul3A_214, %add3A_215 : i32
        %get3A = arith.index_cast %add3A_216 : i32 to index
        %get3A_217 = arith.constant 0 : index
        %get3A_218 = tpu.vector_load %arg9[%get3A, %get3A_217] {strides = array<i32>} : memref<200x128xf32, #tpu.memory_space<vmem>>, vector<1x16xf32>,
        %get3A_219 = vector.shape_cast %get3A_218 : vector<1x16xf32> to vector<16xf32>
        %get3A_220 = arith.index_cast %add3A_216 : i32 to index
        %get3A_221 = arith.constant 0 : index
        %get3A_222 = tpu.vector_load %arg12[%get3A_220, %get3A_221] {strides = array<i32>} : memref<100x128xf32, #tpu.memory_space<vmem>>, vector<1x16xf32>,
        %get3A_223 = vector.shape_cast %get3A_222 : vector<1x16xf32> to vector<16xf32>
        %add3A_224 = arith.addf %get3A_219, %get3A_223 : vector<16xf32>
        %swap3A = arith.index_cast %add3A_216 : i32 to index
        %swap3A_225 = arith.constant 0 : index
        %swap3A_226 = tpu.vector_load %arg11[%swap3A, %swap3A_225] {strides = array<i32>} : memref<200x64xf32, #tpu.memory_space<vmem>>, vector<1x16xf32>,
        %swap3A_227 = vector.shape_cast %swap3A_226 : vector<1x16xf32> to vector<16xf32>
        %swap3A_228 = vector.shape_cast %add3A_224 : vector<16xf32> to vector<1x16xf32>
        tpu.vector_store %arg11[%swap3A, %swap3A_225], %swap3A_228 {strides = array<i32>} : memref<200x64xf32, #tpu.memory_space<vmem>>, vector<1x16xf32>,
        %add3A_229 = arith.constant 100 : i32
        %add3A_230 = arith.addi %add3A_216, %add3A_229 : i32
        %get3A_231 = arith.index_cast %add3A_230 : i32 to index
        %get3A_232 = arith.constant 0 : index
        %get3A_233 = tpu.vector_load %arg9[%get3A_231, %get3A_232] {strides = array<i32>} : memref<200x128xf32, #tpu.memory_space<vmem>>, vector<1x16xf32>,
        %get3A_234 = vector.shape_cast %get3A_233 : vector<1x16xf32> to vector<16xf32>
        %get3A_235 = arith.index_cast %add3A_216 : i32 to index
        %get3A_236 = arith.constant 64 : index
        %get3A_237 = tpu.vector_load %arg12[%get3A_235, %get3A_236] {strides = array<i32>} : memref<100x128xf32, #tpu.memory_space<vmem>>, vector<1x16xf32>,
        %get3A_238 = vector.shape_cast %get3A_237 : vector<1x16xf32> to vector<16xf32>
        %add3A_239 = arith.addf %get3A_234, %get3A_238 : vector<16xf32>
        %add3A_240 = arith.constant 100 : i32
        %add3A_241 = arith.addi %add3A_216, %add3A_240 : i32
        %swap3A_242 = arith.index_cast %add3A_241 : i32 to index
        %swap3A_243 = arith.constant 0 : index
        %swap3A_244 = tpu.vector_load %arg11[%swap3A_242, %swap3A_243] {strides = array<i32>} : memref<200x64xf32, #tpu.memory_space<vmem>>, vector<1x16xf32>,
        %swap3A_245 = vector.shape_cast %swap3A_244 : vector<1x16xf32> to vector<16xf32>
        %swap3A_246 = vector.shape_cast %add3A_239 : vector<16xf32> to vector<1x16xf32>
        tpu.vector_store %arg11[%swap3A_242, %swap3A_243], %swap3A_246 {strides = array<i32>} : memref<200x64xf32, #tpu.memory_space<vmem>>, vector<1x16xf32>,
        %get3A_247 = arith.index_cast %add3A_216 : i32 to index
        %get3A_248 = arith.constant 16 : index
        %get3A_249 = tpu.vector_load %arg9[%get3A_247, %get3A_248] {strides = array<i32>} : memref<200x128xf32, #tpu.memory_space<vmem>>, vector<1x16xf32>,
        %get3A_250 = vector.shape_cast %get3A_249 : vector<1x16xf32> to vector<16xf32>
        %get3A_251 = arith.index_cast %add3A_216 : i32 to index
        %get3A_252 = arith.constant 16 : index
        %get3A_253 = tpu.vector_load %arg12[%get3A_251, %get3A_252] {strides = array<i32>} : memref<100x128xf32, #tpu.memory_space<vmem>>, vector<1x16xf32>,
        %get3A_254 = vector.shape_cast %get3A_253 : vector<1x16xf32> to vector<16xf32>
        %add3A_255 = arith.addf %get3A_250, %get3A_254 : vector<16xf32>
        %swap3A_256 = arith.index_cast %add3A_216 : i32 to index
        %swap3A_257 = arith.constant 16 : index
        %swap3A_258 = tpu.vector_load %arg11[%swap3A_256, %swap3A_257] {strides = array<i32>} : memref<200x64xf32, #tpu.memory_space<vmem>>, vector<1x16xf32>,
        %swap3A_259 = vector.shape_cast %swap3A_258 : vector<1x16xf32> to vector<16xf32>
        %swap3A_260 = vector.shape_cast %add3A_255 : vector<16xf32> to vector<1x16xf32>
        tpu.vector_store %arg11[%swap3A_256, %swap3A_257], %swap3A_260 {strides = array<i32>} : memref<200x64xf32, #tpu.memory_space<vmem>>, vector<1x16xf32>,
        %add3A_261 = arith.constant 100 : i32
        %add3A_262 = arith.addi %add3A_216, %add3A_261 : i32
        %get3A_263 = arith.index_cast %add3A_262 : i32 to index
        %get3A_264 = arith.constant 16 : index
        %get3A_265 = tpu.vector_load %arg9[%get3A_263, %get3A_264] {strides = array<i32>} : memref<200x128xf32, #tpu.memory_space<vmem>>, vector<1x16xf32>,
        %get3A_266 = vector.shape_cast %get3A_265 : vector<1x16xf32> to vector<16xf32>
        %get3A_267 = arith.index_cast %add3A_216 : i32 to index
        %get3A_268 = arith.constant 80 : index
        %get3A_269 = tpu.vector_load %arg12[%get3A_267, %get3A_268] {strides = array<i32>} : memref<100x128xf32, #tpu.memory_space<vmem>>, vector<1x16xf32>,
        %get3A_270 = vector.shape_cast %get3A_269 : vector<1x16xf32> to vector<16xf32>
        %add3A_271 = arith.addf %get3A_266, %get3A_270 : vector<16xf32>
        %add3A_272 = arith.constant 100 : i32
        %add3A_273 = arith.addi %add3A_216, %add3A_272 : i32
        %swap3A_274 = arith.index_cast %add3A_273 : i32 to index
        %swap3A_275 = arith.constant 16 : index
        %swap3A_276 = tpu.vector_load %arg11[%swap3A_274, %swap3A_275] {strides = array<i32>} : memref<200x64xf32, #tpu.memory_space<vmem>>, vector<1x16xf32>,
        %swap3A_277 = vector.shape_cast %swap3A_276 : vector<1x16xf32> to vector<16xf32>
        %swap3A_278 = vector.shape_cast %add3A_271 : vector<16xf32> to vector<1x16xf32>
        tpu.vector_store %arg11[%swap3A_274, %swap3A_275], %swap3A_278 {strides = array<i32>} : memref<200x64xf32, #tpu.memory_space<vmem>>, vector<1x16xf32>,
        %get3A_279 = arith.index_cast %add3A_216 : i32 to index
        %get3A_280 = arith.constant 32 : index
        %get3A_281 = tpu.vector_load %arg9[%get3A_279, %get3A_280] {strides = array<i32>} : memref<200x128xf32, #tpu.memory_space<vmem>>, vector<1x16xf32>,
        %get3A_282 = vector.shape_cast %get3A_281 : vector<1x16xf32> to vector<16xf32>
        %get3A_283 = arith.index_cast %add3A_216 : i32 to index
        %get3A_284 = arith.constant 32 : index
        %get3A_285 = tpu.vector_load %arg12[%get3A_283, %get3A_284] {strides = array<i32>} : memref<100x128xf32, #tpu.memory_space<vmem>>, vector<1x16xf32>,
        %get3A_286 = vector.shape_cast %get3A_285 : vector<1x16xf32> to vector<16xf32>
        %add3A_287 = arith.addf %get3A_282, %get3A_286 : vector<16xf32>
        %swap3A_288 = arith.index_cast %add3A_216 : i32 to index
        %swap3A_289 = arith.constant 32 : index
        %swap3A_290 = tpu.vector_load %arg11[%swap3A_288, %swap3A_289] {strides = array<i32>} : memref<200x64xf32, #tpu.memory_space<vmem>>, vector<1x16xf32>,
        %swap3A_291 = vector.shape_cast %swap3A_290 : vector<1x16xf32> to vector<16xf32>
        %swap3A_292 = vector.shape_cast %add3A_287 : vector<16xf32> to vector<1x16xf32>
        tpu.vector_store %arg11[%swap3A_288, %swap3A_289], %swap3A_292 {strides = array<i32>} : memref<200x64xf32, #tpu.memory_space<vmem>>, vector<1x16xf32>,
        %add3A_293 = arith.constant 100 : i32
        %add3A_294 = arith.addi %add3A_216, %add3A_293 : i32
        %get3A_295 = arith.index_cast %add3A_294 : i32 to index
        %get3A_296 = arith.constant 32 : index
        %get3A_297 = tpu.vector_load %arg9[%get3A_295, %get3A_296] {strides = array<i32>} : memref<200x128xf32, #tpu.memory_space<vmem>>, vector<1x16xf32>,
        %get3A_298 = vector.shape_cast %get3A_297 : vector<1x16xf32> to vector<16xf32>
        %get3A_299 = arith.index_cast %add3A_216 : i32 to index
        %get3A_300 = arith.constant 96 : index
        %get3A_301 = tpu.vector_load %arg12[%get3A_299, %get3A_300] {strides = array<i32>} : memref<100x128xf32, #tpu.memory_space<vmem>>, vector<1x16xf32>,
        %get3A_302 = vector.shape_cast %get3A_301 : vector<1x16xf32> to vector<16xf32>
        %add3A_303 = arith.addf %get3A_298, %get3A_302 : vector<16xf32>
        %add3A_304 = arith.constant 100 : i32
        %add3A_305 = arith.addi %add3A_216, %add3A_304 : i32
        %swap3A_306 = arith.index_cast %add3A_305 : i32 to index
        %swap3A_307 = arith.constant 32 : index
        %swap3A_308 = tpu.vector_load %arg11[%swap3A_306, %swap3A_307] {strides = array<i32>} : memref<200x64xf32, #tpu.memory_space<vmem>>, vector<1x16xf32>,
        %swap3A_309 = vector.shape_cast %swap3A_308 : vector<1x16xf32> to vector<16xf32>
        %swap3A_310 = vector.shape_cast %add3A_303 : vector<16xf32> to vector<1x16xf32>
        tpu.vector_store %arg11[%swap3A_306, %swap3A_307], %swap3A_310 {strides = array<i32>} : memref<200x64xf32, #tpu.memory_space<vmem>>, vector<1x16xf32>,
        %get3A_311 = arith.index_cast %add3A_216 : i32 to index
        %get3A_312 = arith.constant 48 : index
        %get3A_313 = tpu.vector_load %arg9[%get3A_311, %get3A_312] {strides = array<i32>} : memref<200x128xf32, #tpu.memory_space<vmem>>, vector<1x16xf32>,
        %get3A_314 = vector.shape_cast %get3A_313 : vector<1x16xf32> to vector<16xf32>
        %get3A_315 = arith.index_cast %add3A_216 : i32 to index
        %get3A_316 = arith.constant 48 : index
        %get3A_317 = tpu.vector_load %arg12[%get3A_315, %get3A_316] {strides = array<i32>} : memref<100x128xf32, #tpu.memory_space<vmem>>, vector<1x16xf32>,
        %get3A_318 = vector.shape_cast %get3A_317 : vector<1x16xf32> to vector<16xf32>
        %add3A_319 = arith.addf %get3A_314, %get3A_318 : vector<16xf32>
        %swap3A_320 = arith.index_cast %add3A_216 : i32 to index
        %swap3A_321 = arith.constant 48 : index
        %swap3A_322 = tpu.vector_load %arg11[%swap3A_320, %swap3A_321] {strides = array<i32>} : memref<200x64xf32, #tpu.memory_space<vmem>>, vector<1x16xf32>,
        %swap3A_323 = vector.shape_cast %swap3A_322 : vector<1x16xf32> to vector<16xf32>
        %swap3A_324 = vector.shape_cast %add3A_319 : vector<16xf32> to vector<1x16xf32>
        tpu.vector_store %arg11[%swap3A_320, %swap3A_321], %swap3A_324 {strides = array<i32>} : memref<200x64xf32, #tpu.memory_space<vmem>>, vector<1x16xf32>,
        %add3A_325 = arith.constant 100 : i32
        %add3A_326 = arith.addi %add3A_216, %add3A_325 : i32
        %get3A_327 = arith.index_cast %add3A_326 : i32 to index
        %get3A_328 = arith.constant 48 : index
        %get3A_329 = tpu.vector_load %arg9[%get3A_327, %get3A_328] {strides = array<i32>} : memref<200x128xf32, #tpu.memory_space<vmem>>, vector<1x16xf32>,
        %get3A_330 = vector.shape_cast %get3A_329 : vector<1x16xf32> to vector<16xf32>
        %get3A_331 = arith.index_cast %add3A_216 : i32 to index
        %get3A_332 = arith.constant 112 : index
        %get3A_333 = tpu.vector_load %arg12[%get3A_331, %get3A_332] {strides = array<i32>} : memref<100x128xf32, #tpu.memory_space<vmem>>, vector<1x16xf32>,
        %get3A_334 = vector.shape_cast %get3A_333 : vector<1x16xf32> to vector<16xf32>
        %add3A_335 = arith.addf %get3A_330, %get3A_334 : vector<16xf32>
        %add3A_336 = arith.constant 100 : i32
        %add3A_337 = arith.addi %add3A_216, %add3A_336 : i32
        %swap3A_338 = arith.index_cast %add3A_337 : i32 to index
        %swap3A_339 = arith.constant 48 : index
        %swap3A_340 = tpu.vector_load %arg11[%swap3A_338, %swap3A_339] {strides = array<i32>} : memref<200x64xf32, #tpu.memory_space<vmem>>, vector<1x16xf32>,
        %swap3A_341 = vector.shape_cast %swap3A_340 : vector<1x16xf32> to vector<16xf32>
        %swap3A_342 = vector.shape_cast %add3A_335 : vector<16xf32> to vector<1x16xf32>
        tpu.vector_store %arg11[%swap3A_338, %swap3A_339], %swap3A_342 {strides = array<i32>} : memref<200x64xf32, #tpu.memory_space<vmem>>, vector<1x16xf32>,
        %mul3A_343 = arith.constant 2 : i32
        %mul3A_344 = arith.muli %mul3A_343, %scan3A_212 : i32
        %add3A_345 = arith.constant 1 : i32
        %add3A_346 = arith.addi %mul3A_344, %add3A_345 : i32
        %get3A_347 = arith.index_cast %add3A_346 : i32 to index
        %get3A_348 = arith.constant 0 : index
        %get3A_349 = tpu.vector_load %arg9[%get3A_347, %get3A_348] {strides = array<i32>} : memref<200x128xf32, #tpu.memory_space<vmem>>, vector<1x16xf32>,
        %get3A_350 = vector.shape_cast %get3A_349 : vector<1x16xf32> to vector<16xf32>
        %get3A_351 = arith.index_cast %add3A_346 : i32 to index
        %get3A_352 = arith.constant 0 : index
        %get3A_353 = tpu.vector_load %arg12[%get3A_351, %get3A_352] {strides = array<i32>} : memref<100x128xf32, #tpu.memory_space<vmem>>, vector<1x16xf32>,
        %get3A_354 = vector.shape_cast %get3A_353 : vector<1x16xf32> to vector<16xf32>
        %add3A_355 = arith.addf %get3A_350, %get3A_354 : vector<16xf32>
        %swap3A_356 = arith.index_cast %add3A_346 : i32 to index
        %swap3A_357 = arith.constant 0 : index
        %swap3A_358 = tpu.vector_load %arg11[%swap3A_356, %swap3A_357] {strides = array<i32>} : memref<200x64xf32, #tpu.memory_space<vmem>>, vector<1x16xf32>,
        %swap3A_359 = vector.shape_cast %swap3A_358 : vector<1x16xf32> to vector<16xf32>
        %swap3A_360 = vector.shape_cast %add3A_355 : vector<16xf32> to vector<1x16xf32>
        tpu.vector_store %arg11[%swap3A_356, %swap3A_357], %swap3A_360 {strides = array<i32>} : memref<200x64xf32, #tpu.memory_space<vmem>>, vector<1x16xf32>,
        %add3A_361 = arith.constant 100 : i32
        %add3A_362 = arith.addi %add3A_346, %add3A_361 : i32
        %get3A_363 = arith.index_cast %add3A_362 : i32 to index
        %get3A_364 = arith.constant 0 : index
        %get3A_365 = tpu.vector_load %arg9[%get3A_363, %get3A_364] {strides = array<i32>} : memref<200x128xf32, #tpu.memory_space<vmem>>, vector<1x16xf32>,
        %get3A_366 = vector.shape_cast %get3A_365 : vector<1x16xf32> to vector<16xf32>
        %get3A_367 = arith.index_cast %add3A_346 : i32 to index
        %get3A_368 = arith.constant 64 : index
        %get3A_369 = tpu.vector_load %arg12[%get3A_367, %get3A_368] {strides = array<i32>} : memref<100x128xf32, #tpu.memory_space<vmem>>, vector<1x16xf32>,
        %get3A_370 = vector.shape_cast %get3A_369 : vector<1x16xf32> to vector<16xf32>
        %add3A_371 = arith.addf %get3A_366, %get3A_370 : vector<16xf32>
        %add3A_372 = arith.constant 100 : i32
        %add3A_373 = arith.addi %add3A_346, %add3A_372 : i32
        %swap3A_374 = arith.index_cast %add3A_373 : i32 to index
        %swap3A_375 = arith.constant 0 : index
        %swap3A_376 = tpu.vector_load %arg11[%swap3A_374, %swap3A_375] {strides = array<i32>} : memref<200x64xf32, #tpu.memory_space<vmem>>, vector<1x16xf32>,
        %swap3A_377 = vector.shape_cast %swap3A_376 : vector<1x16xf32> to vector<16xf32>
        %swap3A_378 = vector.shape_cast %add3A_371 : vector<16xf32> to vector<1x16xf32>
        tpu.vector_store %arg11[%swap3A_374, %swap3A_375], %swap3A_378 {strides = array<i32>} : memref<200x64xf32, #tpu.memory_space<vmem>>, vector<1x16xf32>,
        %get3A_379 = arith.index_cast %add3A_346 : i32 to index
        %get3A_380 = arith.constant 16 : index
        %get3A_381 = tpu.vector_load %arg9[%get3A_379, %get3A_380] {strides = array<i32>} : memref<200x128xf32, #tpu.memory_space<vmem>>, vector<1x16xf32>,
        %get3A_382 = vector.shape_cast %get3A_381 : vector<1x16xf32> to vector<16xf32>
        %get3A_383 = arith.index_cast %add3A_346 : i32 to index
        %get3A_384 = arith.constant 16 : index
        %get3A_385 = tpu.vector_load %arg12[%get3A_383, %get3A_384] {strides = array<i32>} : memref<100x128xf32, #tpu.memory_space<vmem>>, vector<1x16xf32>,
        %get3A_386 = vector.shape_cast %get3A_385 : vector<1x16xf32> to vector<16xf32>
        %add3A_387 = arith.addf %get3A_382, %get3A_386 : vector<16xf32>
        %swap3A_388 = arith.index_cast %add3A_346 : i32 to index
        %swap3A_389 = arith.constant 16 : index
        %swap3A_390 = tpu.vector_load %arg11[%swap3A_388, %swap3A_389] {strides = array<i32>} : memref<200x64xf32, #tpu.memory_space<vmem>>, vector<1x16xf32>,
        %swap3A_391 = vector.shape_cast %swap3A_390 : vector<1x16xf32> to vector<16xf32>
        %swap3A_392 = vector.shape_cast %add3A_387 : vector<16xf32> to vector<1x16xf32>
        tpu.vector_store %arg11[%swap3A_388, %swap3A_389], %swap3A_392 {strides = array<i32>} : memref<200x64xf32, #tpu.memory_space<vmem>>, vector<1x16xf32>,
        %add3A_393 = arith.constant 100 : i32
        %add3A_394 = arith.addi %add3A_346, %add3A_393 : i32
        %get3A_395 = arith.index_cast %add3A_394 : i32 to index
        %get3A_396 = arith.constant 16 : index
        %get3A_397 = tpu.vector_load %arg9[%get3A_395, %get3A_396] {strides = array<i32>} : memref<200x128xf32, #tpu.memory_space<vmem>>, vector<1x16xf32>,
        %get3A_398 = vector.shape_cast %get3A_397 : vector<1x16xf32> to vector<16xf32>
        %get3A_399 = arith.index_cast %add3A_346 : i32 to index
        %get3A_400 = arith.constant 80 : index
        %get3A_401 = tpu.vector_load %arg12[%get3A_399, %get3A_400] {strides = array<i32>} : memref<100x128xf32, #tpu.memory_space<vmem>>, vector<1x16xf32>,
        %get3A_402 = vector.shape_cast %get3A_401 : vector<1x16xf32> to vector<16xf32>
        %add3A_403 = arith.addf %get3A_398, %get3A_402 : vector<16xf32>
        %add3A_404 = arith.constant 100 : i32
        %add3A_405 = arith.addi %add3A_346, %add3A_404 : i32
        %swap3A_406 = arith.index_cast %add3A_405 : i32 to index
        %swap3A_407 = arith.constant 16 : index
        %swap3A_408 = tpu.vector_load %arg11[%swap3A_406, %swap3A_407] {strides = array<i32>} : memref<200x64xf32, #tpu.memory_space<vmem>>, vector<1x16xf32>,
        %swap3A_409 = vector.shape_cast %swap3A_408 : vector<1x16xf32> to vector<16xf32>
        %swap3A_410 = vector.shape_cast %add3A_403 : vector<16xf32> to vector<1x16xf32>
        tpu.vector_store %arg11[%swap3A_406, %swap3A_407], %swap3A_410 {strides = array<i32>} : memref<200x64xf32, #tpu.memory_space<vmem>>, vector<1x16xf32>,
        %get3A_411 = arith.index_cast %add3A_346 : i32 to index
        %get3A_412 = arith.constant 32 : index
        %get3A_413 = tpu.vector_load %arg9[%get3A_411, %get3A_412] {strides = array<i32>} : memref<200x128xf32, #tpu.memory_space<vmem>>, vector<1x16xf32>,
        %get3A_414 = vector.shape_cast %get3A_413 : vector<1x16xf32> to vector<16xf32>
        %get3A_415 = arith.index_cast %add3A_346 : i32 to index
        %get3A_416 = arith.constant 32 : index
        %get3A_417 = tpu.vector_load %arg12[%get3A_415, %get3A_416] {strides = array<i32>} : memref<100x128xf32, #tpu.memory_space<vmem>>, vector<1x16xf32>,
        %get3A_418 = vector.shape_cast %get3A_417 : vector<1x16xf32> to vector<16xf32>
        %add3A_419 = arith.addf %get3A_414, %get3A_418 : vector<16xf32>
        %swap3A_420 = arith.index_cast %add3A_346 : i32 to index
        %swap3A_421 = arith.constant 32 : index
        %swap3A_422 = tpu.vector_load %arg11[%swap3A_420, %swap3A_421] {strides = array<i32>} : memref<200x64xf32, #tpu.memory_space<vmem>>, vector<1x16xf32>,
        %swap3A_423 = vector.shape_cast %swap3A_422 : vector<1x16xf32> to vector<16xf32>
        %swap3A_424 = vector.shape_cast %add3A_419 : vector<16xf32> to vector<1x16xf32>
        tpu.vector_store %arg11[%swap3A_420, %swap3A_421], %swap3A_424 {strides = array<i32>} : memref<200x64xf32, #tpu.memory_space<vmem>>, vector<1x16xf32>,
        %add3A_425 = arith.constant 100 : i32
        %add3A_426 = arith.addi %add3A_346, %add3A_425 : i32
        %get3A_427 = arith.index_cast %add3A_426 : i32 to index
        %get3A_428 = arith.constant 32 : index
        %get3A_429 = tpu.vector_load %arg9[%get3A_427, %get3A_428] {strides = array<i32>} : memref<200x128xf32, #tpu.memory_space<vmem>>, vector<1x16xf32>,
        %get3A_430 = vector.shape_cast %get3A_429 : vector<1x16xf32> to vector<16xf32>
        %get3A_431 = arith.index_cast %add3A_346 : i32 to index
        %get3A_432 = arith.constant 96 : index
        %get3A_433 = tpu.vector_load %arg12[%get3A_431, %get3A_432] {strides = array<i32>} : memref<100x128xf32, #tpu.memory_space<vmem>>, vector<1x16xf32>,
        %get3A_434 = vector.shape_cast %get3A_433 : vector<1x16xf32> to vector<16xf32>
        %add3A_435 = arith.addf %get3A_430, %get3A_434 : vector<16xf32>
        %add3A_436 = arith.constant 100 : i32
        %add3A_437 = arith.addi %add3A_346, %add3A_436 : i32
        %swap3A_438 = arith.index_cast %add3A_437 : i32 to index
        %swap3A_439 = arith.constant 32 : index
        %swap3A_440 = tpu.vector_load %arg11[%swap3A_438, %swap3A_439] {strides = array<i32>} : memref<200x64xf32, #tpu.memory_space<vmem>>, vector<1x16xf32>,
        %swap3A_441 = vector.shape_cast %swap3A_440 : vector<1x16xf32> to vector<16xf32>
        %swap3A_442 = vector.shape_cast %add3A_435 : vector<16xf32> to vector<1x16xf32>
        tpu.vector_store %arg11[%swap3A_438, %swap3A_439], %swap3A_442 {strides = array<i32>} : memref<200x64xf32, #tpu.memory_space<vmem>>, vector<1x16xf32>,
        %get3A_443 = arith.index_cast %add3A_346 : i32 to index
        %get3A_444 = arith.constant 48 : index
        %get3A_445 = tpu.vector_load %arg9[%get3A_443, %get3A_444] {strides = array<i32>} : memref<200x128xf32, #tpu.memory_space<vmem>>, vector<1x16xf32>,
        %get3A_446 = vector.shape_cast %get3A_445 : vector<1x16xf32> to vector<16xf32>
        %get3A_447 = arith.index_cast %add3A_346 : i32 to index
        %get3A_448 = arith.constant 48 : index
        %get3A_449 = tpu.vector_load %arg12[%get3A_447, %get3A_448] {strides = array<i32>} : memref<100x128xf32, #tpu.memory_space<vmem>>, vector<1x16xf32>,
        %get3A_450 = vector.shape_cast %get3A_449 : vector<1x16xf32> to vector<16xf32>
        %add3A_451 = arith.addf %get3A_446, %get3A_450 : vector<16xf32>
        %swap3A_452 = arith.index_cast %add3A_346 : i32 to index
        %swap3A_453 = arith.constant 48 : index
        %swap3A_454 = tpu.vector_load %arg11[%swap3A_452, %swap3A_453] {strides = array<i32>} : memref<200x64xf32, #tpu.memory_space<vmem>>, vector<1x16xf32>,
        %swap3A_455 = vector.shape_cast %swap3A_454 : vector<1x16xf32> to vector<16xf32>
        %swap3A_456 = vector.shape_cast %add3A_451 : vector<16xf32> to vector<1x16xf32>
        tpu.vector_store %arg11[%swap3A_452, %swap3A_453], %swap3A_456 {strides = array<i32>} : memref<200x64xf32, #tpu.memory_space<vmem>>, vector<1x16xf32>,
        %add3A_457 = arith.constant 100 : i32
        %add3A_458 = arith.addi %add3A_346, %add3A_457 : i32
        %get3A_459 = arith.index_cast %add3A_458 : i32 to index
        %get3A_460 = arith.constant 48 : index
        %get3A_461 = tpu.vector_load %arg9[%get3A_459, %get3A_460] {strides = array<i32>} : memref<200x128xf32, #tpu.memory_space<vmem>>, vector<1x16xf32>,
        %get3A_462 = vector.shape_cast %get3A_461 : vector<1x16xf32> to vector<16xf32>
        %get3A_463 = arith.index_cast %add3A_346 : i32 to index
        %get3A_464 = arith.constant 112 : index
        %get3A_465 = tpu.vector_load %arg12[%get3A_463, %get3A_464] {strides = array<i32>} : memref<100x128xf32, #tpu.memory_space<vmem>>, vector<1x16xf32>,
        %get3A_466 = vector.shape_cast %get3A_465 : vector<1x16xf32> to vector<16xf32>
        %add3A_467 = arith.addf %get3A_462, %get3A_466 : vector<16xf32>
        %add3A_468 = arith.constant 100 : i32
        %add3A_469 = arith.addi %add3A_346, %add3A_468 : i32
        %swap3A_470 = arith.index_cast %add3A_469 : i32 to index
        %swap3A_471 = arith.constant 48 : index
        %swap3A_472 = tpu.vector_load %arg11[%swap3A_470, %swap3A_471] {strides = array<i32>} : memref<200x64xf32, #tpu.memory_space<vmem>>, vector<1x16xf32>,
        %swap3A_473 = vector.shape_cast %swap3A_472 : vector<1x16xf32> to vector<16xf32>
        %swap3A_474 = vector.shape_cast %add3A_467 : vector<16xf32> to vector<1x16xf32>
        tpu.vector_store %arg11[%swap3A_470, %swap3A_471], %swap3A_474 {strides = array<i32>} : memref<200x64xf32, #tpu.memory_space<vmem>>, vector<1x16xf32>,
      }
      %scan3A_188 = arith.constant 50 : i32
      %add3A_189 = arith.addi %mul3A_2, %add3A_142 : i32
      %dma_start3A_190 = arith.constant 0 : i32
      %dma_start3A_191 = arith.constant 0 : i32
      %dma_start3A_192 = tpu.memref_slice %arg5[%add3A_189, %dma_start3A_190, %dma_start3A_191] : memref<4096x200x64xf32, #tpu.memory_space<hbm>> -> memref<1x200x64xf32, #tpu.memory_space<hbm>>
      %dma_start3A_193 = tpu.memref_squeeze %dma_start3A_192 : memref<1x200x64xf32, #tpu.memory_space<hbm>> -> memref<200x64xf32, #tpu.memory_space<hbm>>
      %dma_start3A_194 = arith.constant 0 : i32
      %dma_start3A_195 = arith.constant 0 : i32
      %dma_start3A_196 = tpu.memref_slice %arg5[%add3A_189, %dma_start3A_194, %dma_start3A_195] : memref<4096x200x64xf32, #tpu.memory_space<hbm>> -> memref<1x200x64xf32, #tpu.memory_space<hbm>>
      %dma_start3A_197 = tpu.memref_squeeze %dma_start3A_196 : memref<1x200x64xf32, #tpu.memory_space<hbm>> -> memref<200x64xf32, #tpu.memory_space<hbm>>
      tpu.enqueue_dma source(%arg11 : memref<200x64xf32, #tpu.memory_space<vmem>>) target(%dma_start3A_197 : memref<200x64xf32, #tpu.memory_space<hbm>>) target_semaphore(%arg16 : memref<!tpu.dma_semaphore, #tpu.memory_space<semaphore_mem>>)
      %add3A_198 = arith.constant 2 : i32
      %add3A_199 = arith.addi %add3A_142, %add3A_198 : i32
      %lt3A_200 = arith.constant 128 : i32
      %lt3A_201 = arith.cmpi slt, %add3A_199, %lt3A_200 : i32
      %convert_element_type3A_202 = arith.extui %lt3A_201 : i1 to i32
      %cond3A_203 = arith.constant 0 : i32
      %cond3A_204 = arith.cmpi ne, %convert_element_type3A_202, %cond3A_203 : i32
      scf.if %cond3A_204 {
        %add3A_212 = arith.addi %mul3A_2, %add3A_142 : i32
        %add3A_213 = arith.constant 2 : i32
        %add3A_214 = arith.addi %add3A_212, %add3A_213 : i32
        "tpu.region"() ({
          %run_scoped3A = tpu.sem_alloc : memref<!tpu.dma_semaphore, #tpu.memory_space<semaphore_mem>>
          %dma_start3A_215 = arith.constant 0 : i32
          %dma_start3A_216 = tpu.memref_slice %arg2[%add3A_214, %dma_start3A_215] : memref<4096x200xi32, #tpu.memory_space<hbm>> -> memref<1x200xi32, #tpu.memory_space<hbm>>
          %dma_start3A_217 = tpu.memref_squeeze %dma_start3A_216 : memref<1x200xi32, #tpu.memory_space<hbm>> -> memref<200xi32, #tpu.memory_space<hbm>>
          %dma_start3A_218 = arith.constant 0 : i32
          %dma_start3A_219 = tpu.memref_slice %arg2[%add3A_214, %dma_start3A_218] : memref<4096x200xi32, #tpu.memory_space<hbm>> -> memref<1x200xi32, #tpu.memory_space<hbm>>
          %dma_start3A_220 = tpu.memref_squeeze %dma_start3A_219 : memref<1x200xi32, #tpu.memory_space<hbm>> -> memref<200xi32, #tpu.memory_space<hbm>>
          tpu.enqueue_dma source(%dma_start3A_220 : memref<200xi32, #tpu.memory_space<hbm>>) target(%arg7 : memref<200xi32, #tpu.memory_space<vmem>>) target_semaphore(%run_scoped3A : memref<!tpu.dma_semaphore, #tpu.memory_space<semaphore_mem>>)
          %dma_wait3A_221 = arith.constant 0 : i32
          %dma_wait3A_222 = tpu.memref_slice %arg2[%add3A_214, %dma_wait3A_221] : memref<4096x200xi32, #tpu.memory_space<hbm>> -> memref<1x200xi32, #tpu.memory_space<hbm>>
          %dma_wait3A_223 = tpu.memref_squeeze %dma_wait3A_222 : memref<1x200xi32, #tpu.memory_space<hbm>> -> memref<200xi32, #tpu.memory_space<hbm>>
          %dma_wait3A_224 = arith.constant 0 : i32
          %dma_wait3A_225 = tpu.memref_slice %arg2[%add3A_214, %dma_wait3A_224] : memref<4096x200xi32, #tpu.memory_space<hbm>> -> memref<1x200xi32, #tpu.memory_space<hbm>>
          %dma_wait3A_226 = tpu.memref_squeeze %dma_wait3A_225 : memref<1x200xi32, #tpu.memory_space<hbm>> -> memref<200xi32, #tpu.memory_space<hbm>>
          tpu.wait_dma2 semaphore(%run_scoped3A : memref<!tpu.dma_semaphore, #tpu.memory_space<semaphore_mem>>) src(%dma_wait3A_226 : memref<200xi32, #tpu.memory_space<hbm>>) dst(%arg7 : memref<200xi32, #tpu.memory_space<vmem>>)
          tpu.yield
        }) : () -> ()
      } else {
      }
      %add3A_205 = arith.constant 1 : i32
      %add3A_206 = arith.addi %add3A_142, %add3A_205 : i32
      %lt3A_207 = arith.constant 128 : i32
      %lt3A_208 = arith.cmpi slt, %add3A_206, %lt3A_207 : i32
      %convert_element_type3A_209 = arith.extui %lt3A_208 : i1 to i32
      %cond3A_210 = arith.constant 0 : i32
      %cond3A_211 = arith.cmpi ne, %convert_element_type3A_209, %cond3A_210 : i32
      scf.if %cond3A_211 {
        %ge3A = arith.constant 1 : i32
        %ge3A_212 = arith.cmpi sge, %add3A_142, %ge3A : i32
        %convert_element_type3A_213 = arith.extui %ge3A_212 : i1 to i32
        %cond3A_214 = arith.constant 0 : i32
        %cond3A_215 = arith.cmpi ne, %convert_element_type3A_213, %cond3A_214 : i32
        scf.if %cond3A_215 {
          %sub3A = arith.constant 1 : i32
          %sub3A_256 = arith.subi %add3A_142, %sub3A : i32
          %add3A_257 = arith.addi %mul3A_2, %sub3A_256 : i32
          %dma_wait3A_258 = arith.constant 0 : i32
          %dma_wait3A_259 = arith.constant 0 : i32
          %dma_wait3A_260 = tpu.memref_slice %arg5[%add3A_257, %dma_wait3A_258, %dma_wait3A_259] : memref<4096x200x64xf32, #tpu.memory_space<hbm>> -> memref<1x200x64xf32, #tpu.memory_space<hbm>>
          %dma_wait3A_261 = tpu.memref_squeeze %dma_wait3A_260 : memref<1x200x64xf32, #tpu.memory_space<hbm>> -> memref<200x64xf32, #tpu.memory_space<hbm>>
          %dma_wait3A_262 = arith.constant 0 : i32
          %dma_wait3A_263 = arith.constant 0 : i32
          %dma_wait3A_264 = tpu.memref_slice %arg5[%add3A_257, %dma_wait3A_262, %dma_wait3A_263] : memref<4096x200x64xf32, #tpu.memory_space<hbm>> -> memref<1x200x64xf32, #tpu.memory_space<hbm>>
          %dma_wait3A_265 = tpu.memref_squeeze %dma_wait3A_264 : memref<1x200x64xf32, #tpu.memory_space<hbm>> -> memref<200x64xf32, #tpu.memory_space<hbm>>
          tpu.wait_dma2 semaphore(%arg15 : memref<!tpu.dma_semaphore, #tpu.memory_space<semaphore_mem>>) src(%arg10 : memref<200x64xf32, #tpu.memory_space<vmem>>) dst(%dma_wait3A_265 : memref<200x64xf32, #tpu.memory_space<hbm>>)
        } else {
        }
        %dma_start3A_216 = arith.constant 0 : i32
        %dma_start3A_217 = arith.constant 0 : i32
        %dma_start3A_218 = tpu.memref_slice %arg8[%dma_start3A_216, %dma_start3A_217] : memref<200x128xf32, #tpu.memory_space<vmem>> -> memref<40x128xf32, #tpu.memory_space<vmem>>
        %dma_start3A_219 = arith.constant 0 : i32
        %dma_start3A_220 = tpu.memref_slice %arg6[%dma_start3A_219] : memref<200xi32, #tpu.memory_space<vmem>> -> memref<40xi32, #tpu.memory_space<vmem>>
        %dma_start3A_221 = arith.constant 0 : i32
        %dma_start3A_222 = arith.constant 0 : i32
        %dma_start3A_223 = tpu.memref_slice %arg3[%dma_start3A_221, %dma_start3A_222] : memref<100000x128xf32, #tpu.memory_space<hbm>> -> memref<100000x128xf32, #tpu.memory_space<hbm>>
        tpu.enqueue_indirect_dma source(%dma_start3A_223 : memref<100000x128xf32, #tpu.memory_space<hbm>>) target(%dma_start3A_218 : memref<40x128xf32, #tpu.memory_space<vmem>>) offsets(%dma_start3A_220 : memref<40xi32, #tpu.memory_space<vmem>>) semaphore(%arg13 : memref<!tpu.dma_semaphore, #tpu.memory_space<semaphore_mem>>)
        %dma_start3A_224 = arith.constant 40 : i32
        %dma_start3A_225 = arith.constant 0 : i32
        %dma_start3A_226 = tpu.memref_slice %arg8[%dma_start3A_224, %dma_start3A_225] : memref<200x128xf32, #tpu.memory_space<vmem>> -> memref<40x128xf32, #tpu.memory_space<vmem>>
        %dma_start3A_227 = arith.constant 40 : i32
        %dma_start3A_228 = tpu.memref_slice %arg6[%dma_start3A_227] : memref<200xi32, #tpu.memory_space<vmem>> -> memref<40xi32, #tpu.memory_space<vmem>>
        %dma_start3A_229 = arith.constant 0 : i32
        %dma_start3A_230 = arith.constant 0 : i32
        %dma_start3A_231 = tpu.memref_slice %arg3[%dma_start3A_229, %dma_start3A_230] : memref<100000x128xf32, #tpu.memory_space<hbm>> -> memref<100000x128xf32, #tpu.memory_space<hbm>>
        tpu.enqueue_indirect_dma source(%dma_start3A_231 : memref<100000x128xf32, #tpu.memory_space<hbm>>) target(%dma_start3A_226 : memref<40x128xf32, #tpu.memory_space<vmem>>) offsets(%dma_start3A_228 : memref<40xi32, #tpu.memory_space<vmem>>) semaphore(%arg13 : memref<!tpu.dma_semaphore, #tpu.memory_space<semaphore_mem>>)
        %dma_start3A_232 = arith.constant 80 : i32
        %dma_start3A_233 = arith.constant 0 : i32
        %dma_start3A_234 = tpu.memref_slice %arg8[%dma_start3A_232, %dma_start3A_233] : memref<200x128xf32, #tpu.memory_space<vmem>> -> memref<40x128xf32, #tpu.memory_space<vmem>>
        %dma_start3A_235 = arith.constant 80 : i32
        %dma_start3A_236 = tpu.memref_slice %arg6[%dma_start3A_235] : memref<200xi32, #tpu.memory_space<vmem>> -> memref<40xi32, #tpu.memory_space<vmem>>
        %dma_start3A_237 = arith.constant 0 : i32
        %dma_start3A_238 = arith.constant 0 : i32
        %dma_start3A_239 = tpu.memref_slice %arg3[%dma_start3A_237, %dma_start3A_238] : memref<100000x128xf32, #tpu.memory_space<hbm>> -> memref<100000x128xf32, #tpu.memory_space<hbm>>
        tpu.enqueue_indirect_dma source(%dma_start3A_239 : memref<100000x128xf32, #tpu.memory_space<hbm>>) target(%dma_start3A_234 : memref<40x128xf32, #tpu.memory_space<vmem>>) offsets(%dma_start3A_236 : memref<40xi32, #tpu.memory_space<vmem>>) semaphore(%arg13 : memref<!tpu.dma_semaphore, #tpu.memory_space<semaphore_mem>>)
        %dma_start3A_240 = arith.constant 120 : i32
        %dma_start3A_241 = arith.constant 0 : i32
        %dma_start3A_242 = tpu.memref_slice %arg8[%dma_start3A_240, %dma_start3A_241] : memref<200x128xf32, #tpu.memory_space<vmem>> -> memref<40x128xf32, #tpu.memory_space<vmem>>
        %dma_start3A_243 = arith.constant 120 : i32
        %dma_start3A_244 = tpu.memref_slice %arg6[%dma_start3A_243] : memref<200xi32, #tpu.memory_space<vmem>> -> memref<40xi32, #tpu.memory_space<vmem>>
        %dma_start3A_245 = arith.constant 0 : i32
        %dma_start3A_246 = arith.constant 0 : i32
        %dma_start3A_247 = tpu.memref_slice %arg3[%dma_start3A_245, %dma_start3A_246] : memref<100000x128xf32, #tpu.memory_space<hbm>> -> memref<100000x128xf32, #tpu.memory_space<hbm>>
        tpu.enqueue_indirect_dma source(%dma_start3A_247 : memref<100000x128xf32, #tpu.memory_space<hbm>>) target(%dma_start3A_242 : memref<40x128xf32, #tpu.memory_space<vmem>>) offsets(%dma_start3A_244 : memref<40xi32, #tpu.memory_space<vmem>>) semaphore(%arg13 : memref<!tpu.dma_semaphore, #tpu.memory_space<semaphore_mem>>)
        %dma_start3A_248 = arith.constant 160 : i32
        %dma_start3A_249 = arith.constant 0 : i32
        %dma_start3A_250 = tpu.memref_slice %arg8[%dma_start3A_248, %dma_start3A_249] : memref<200x128xf32, #tpu.memory_space<vmem>> -> memref<40x128xf32, #tpu.memory_space<vmem>>
        %dma_start3A_251 = arith.constant 160 : i32
        %dma_start3A_252 = tpu.memref_slice %arg6[%dma_start3A_251] : memref<200xi32, #tpu.memory_space<vmem>> -> memref<40xi32, #tpu.memory_space<vmem>>
        %dma_start3A_253 = arith.constant 0 : i32
        %dma_start3A_254 = arith.constant 0 : i32
        %dma_start3A_255 = tpu.memref_slice %arg3[%dma_start3A_253, %dma_start3A_254] : memref<100000x128xf32, #tpu.memory_space<hbm>> -> memref<100000x128xf32, #tpu.memory_space<hbm>>
        tpu.enqueue_indirect_dma source(%dma_start3A_255 : memref<100000x128xf32, #tpu.memory_space<hbm>>) target(%dma_start3A_250 : memref<40x128xf32, #tpu.memory_space<vmem>>) offsets(%dma_start3A_252 : memref<40xi32, #tpu.memory_space<vmem>>) semaphore(%arg13 : memref<!tpu.dma_semaphore, #tpu.memory_space<semaphore_mem>>)
      } else {
      }
    }
    %scan3A_48 = arith.constant 64 : i32
    %add3A_49 = arith.constant 126 : i32
    %add3A_50 = arith.addi %mul3A_2, %add3A_49 : i32
    %dma_wait3A = arith.constant 0 : i32
    %dma_wait3A_51 = arith.constant 0 : i32
    %dma_wait3A_52 = tpu.memref_slice %arg5[%add3A_50, %dma_wait3A, %dma_wait3A_51] : memref<4096x200x64xf32, #tpu.memory_space<hbm>> -> memref<1x200x64xf32, #tpu.memory_space<hbm>>
    %dma_wait3A_53 = tpu.memref_squeeze %dma_wait3A_52 : memref<1x200x64xf32, #tpu.memory_space<hbm>> -> memref<200x64xf32, #tpu.memory_space<hbm>>
    %dma_wait3A_54 = arith.constant 0 : i32
    %dma_wait3A_55 = arith.constant 0 : i32
    %dma_wait3A_56 = tpu.memref_slice %arg5[%add3A_50, %dma_wait3A_54, %dma_wait3A_55] : memref<4096x200x64xf32, #tpu.memory_space<hbm>> -> memref<1x200x64xf32, #tpu.memory_space<hbm>>
    %dma_wait3A_57 = tpu.memref_squeeze %dma_wait3A_56 : memref<1x200x64xf32, #tpu.memory_space<hbm>> -> memref<200x64xf32, #tpu.memory_space<hbm>>
    tpu.wait_dma2 semaphore(%arg15 : memref<!tpu.dma_semaphore, #tpu.memory_space<semaphore_mem>>) src(%arg10 : memref<200x64xf32, #tpu.memory_space<vmem>>) dst(%dma_wait3A_57 : memref<200x64xf32, #tpu.memory_space<hbm>>)
    %add3A_58 = arith.constant 127 : i32
    %add3A_59 = arith.addi %mul3A_2, %add3A_58 : i32
    %dma_wait3A_60 = arith.constant 0 : i32
    %dma_wait3A_61 = arith.constant 0 : i32
    %dma_wait3A_62 = tpu.memref_slice %arg5[%add3A_59, %dma_wait3A_60, %dma_wait3A_61] : memref<4096x200x64xf32, #tpu.memory_space<hbm>> -> memref<1x200x64xf32, #tpu.memory_space<hbm>>
    %dma_wait3A_63 = tpu.memref_squeeze %dma_wait3A_62 : memref<1x200x64xf32, #tpu.memory_space<hbm>> -> memref<200x64xf32, #tpu.memory_space<hbm>>
    %dma_wait3A_64 = arith.constant 0 : i32
    %dma_wait3A_65 = arith.constant 0 : i32
    %dma_wait3A_66 = tpu.memref_slice %arg5[%add3A_59, %dma_wait3A_64, %dma_wait3A_65] : memref<4096x200x64xf32, #tpu.memory_space<hbm>> -> memref<1x200x64xf32, #tpu.memory_space<hbm>>
    %dma_wait3A_67 = tpu.memref_squeeze %dma_wait3A_66 : memref<1x200x64xf32, #tpu.memory_space<hbm>> -> memref<200x64xf32, #tpu.memory_space<hbm>>
    tpu.wait_dma2 semaphore(%arg16 : memref<!tpu.dma_semaphore, #tpu.memory_space<semaphore_mem>>) src(%arg11 : memref<200x64xf32, #tpu.memory_space<vmem>>) dst(%dma_wait3A_67 : memref<200x64xf32, #tpu.memory_space<hbm>>)
    return
  }
}

</mosaic_0001>

<sc_bundles>
// kernel: kernel.3.cloned.1.call-start
scs
__scs_entry_jumppad:
0x0: {  	(pc) =	sbr.rel $0x88, $3  }
0x1: {  	(tag) =	ssettag $0x0;
	lr =	simm.s32 $0x1  }
0x2: {  	[smem:$0x3F9F] =	sst lr;
	_ =	strace $0xD0000000  }
0x3: {  	_ = 	snop  }
0x4: {  	_ = 	snop  }
0x5: {  	_ = 	snop  }
0x6: {  	_ = 	snop  }
0x7: {  	_ = 	snop  }
__scs_overlays_trampoline_lowered:
0x8: {  	[smem:$0x3FAE] =	sst s0  }
0x9: {  	[smem:$0x3FAF] =	sst s1  }
0xa: {  	[smem:$0x3FB0] =	sst s2  }
0xb: {  	[smem:$0x3FB1] =	sst s3  }
0xc: {  	[smem:$0x3FB2] =	sst s4  }
0xd: {  	[smem:$0x3FB3] =	sst s5  }
0xe: {  	[smem:$0x3FB4] =	sst s6  }
0xf: {  	[smem:$0x3FB5] =	sst s7  }
0x10: {  	[smem:$0x3FB6] =	sst s8  }
0x11: {  	[smem:$0x3FB7] =	sst s9;
	s0 =	simm.s32 @!p0 $0x0  }
0x12: {  	s1 =	sld [smem:$0x3F9D];
	s0 =	simm.s32 @p0 $0x1  }
0x13: {  	[smem:$0x3FB8] =	sst s0;
	s0 =	simm.s32 @!p1 $0x0  }
0x14: {  	s2 =	sld [smem:$0x3F9C];
	s0 =	simm.s32 @p1 $0x1  }
0x15: {  	[smem:$0x3FB9] =	sst s0;
	s0 =	simm.s32 @!p2 $0x0  }
0x16: {  	s3 =	sld [smem:$0x3FDB];
	s0 =	simm.s32 @p2 $0x1  }
0x17: {  	s4 =	simm.s32 $0x1BF5;
	[smem:$0x3FBB] =	sst s0  }
0x18: {  	s0 =	sld [smem:$0x3F9E];
	_ =	swait.ge [sflag:s4], $0x0  }
0x19: {  	s7 =	sld [smem:$0x3F9F]  }
0x1a: {  	s8 =	sadd.s32 $0xFFFFE003, lr  }
0x1b: {  	s9 =	sadd.s32 $0xFFFFFEF7, lr;
	s5 =	simm.s32 $0xFFFFFFFF;
	p2 =	slt.u32 s8, $0xFFFFF086  }
0x1c: {  	p1 =	slt.u32 s9, $0xF7A;
	s5 =	simm.s32 @!p2 $0x0  }
0x1d: {  	s5 =	simm.s32 @p1 $0x1;
	p0 =	seq.s32 s7, s2  }
0x1e: {  	s7 =	smul.u32 @!p0 $0xF7A, s2;
	p2 =	seq.s32 @!p0 s5, $0x0  }
0x1f: {  	s9 =	smul.u32 $0xF7A, s1;
	s8 =	simm.s32 @!p0 $0x1BF5;
	p2 =	por !p2, p0  }
0x20: {  	[sflag:s8] =	ssyncset.s32 @!p0 $0xFFFFF086;
	s6 =	sadd.s32 @!p0 s3, s7;
	s7 =	simm.s32 @!p0 $0x108  }
0x21: {  	s3 =	sadd.s32 s3, s9;
	s6 =	sadd.s32 @!p0 $0x88, s6;
	s7 =	simm.s32 @p2 $0x1082  }
0x22: {  	[simem:s7], [sflag:s8] =	dma.local @!p0 [hbm:s6], $0xF7A  }
0x23: {  	s9 =	sor.u32 $0xD0000000, s2;
	s6 =	simm.s32 $0x108;
	_ =	swait.ge @!p0 [sflag:s8], $0x0  }
0x24: {  	s3 =	sadd.s32 $0x88, s3;
	s6 =	simm.s32 @!p1 $0x1082;
	[sflag:s4] =	ssyncset.s32 $0xFFFFF086  }
0x25: {  	[simem:s6], [sflag:s4] =	dma.local [hbm:s3], $0xF7A  }
0x26: {  	[smem:$0x3F9F] =	sst s1;
	(tag) =	ssettag s2;
	_ =	strace s9  }
0x27: {  	s1 =	sld [smem:$0x3FAF]  }
0x28: {  	s2 =	sld [smem:$0x3FB0]  }
0x29: {  	s4 =	sld [smem:$0x3FB2]  }
0x2a: {  	p0 =	seq.s32 s5, $0x0;
	s5 =	sld [smem:$0x3FB3]  }
0x2b: {  	s6 =	sld [smem:$0x3FB4]  }
0x2c: {  	s7 =	sld [smem:$0x3FB5]  }
0x2d: {  	s3 =	simm.s32 $0x108;
	s8 =	sld [smem:$0x3FB6]  }
0x2e: {  	s3 =	simm.s32 @!p0 $0x1082;
	s9 =	sld [smem:$0x3FB7]  }
0x2f: {  	lr =	sadd.s32 s0, s3;
	s0 =	sld [smem:$0x3FAE]  }
0x30: {  	s3 =	sld [smem:$0x3FB1]  }
0x31: {  	[smem:$0x3FBA] =	sst s10  }
0x32: {  	s10 =	sld [smem:$0x3FB8];
	_ =	sdelay $0x3  }
0x33: {  	p0 =	seq.s32 s10, $0x1;
	s10 =	sld [smem:$0x3FBA];
	_ =	sdelay $0x3  }
0x34: {  	[smem:$0x3FBA] =	sst s10  }
0x35: {  	s10 =	sld [smem:$0x3FB9];
	_ =	sdelay $0x3  }
0x36: {  	p1 =	seq.s32 s10, $0x1;
	s10 =	sld [smem:$0x3FBA];
	_ =	sdelay $0x3  }
0x37: {  	[smem:$0x3FBA] =	sst s10  }
0x38: {  	s10 =	sld [smem:$0x3FBB]  }
0x39: {  	_ = 	snop;
	(pc) =	sbr.ind lr, $3  }
0x3a: {  	_ = 	snop  }
0x3b: {  	_ = 	snop  }
0x3c: {  	p2 =	seq.s32 s10, $0x1;
	s10 =	sld [smem:$0x3FBA]  }
0x3d: {  	_ =	shalt  }
0x3e: {  	_ =	shalt  }
0x3f: {  	_ =	shalt  }
0x40: {  	_ =	shalt  }
0x41: {  	_ =	shalt  }
0x42: {  	_ =	shalt  }
0x43: {  	_ =	shalt  }
0x44: {  	_ =	shalt  }
0x45: {  	_ =	shalt  }
0x46: {  	_ =	shalt  }
0x47: {  	_ =	shalt  }
0x48: {  	_ =	shalt  }
0x49: {  	_ =	shalt  }
0x4a: {  	_ =	shalt  }
0x4b: {  	_ =	shalt  }
0x4c: {  	_ =	shalt  }
0x4d: {  	_ =	shalt  }
0x4e: {  	_ =	shalt  }
0x4f: {  	_ =	shalt  }
0x50: {  	_ =	shalt  }
0x51: {  	_ =	shalt  }
0x52: {  	_ =	shalt  }
0x53: {  	_ =	shalt  }
0x54: {  	_ =	shalt  }
0x55: {  	_ =	shalt  }
0x56: {  	_ =	shalt  }
0x57: {  	_ =	shalt  }
0x58: {  	_ =	shalt  }
0x59: {  	_ =	shalt  }
0x5a: {  	_ =	shalt  }
0x5b: {  	_ =	shalt  }
0x5c: {  	_ =	shalt  }
0x5d: {  	_ =	shalt  }
0x5e: {  	_ =	shalt  }
0x5f: {  	_ =	shalt  }
0x60: {  	_ =	shalt  }
0x61: {  	_ =	shalt  }
0x62: {  	_ =	shalt  }
0x63: {  	_ =	shalt  }
0x64: {  	_ =	shalt  }
0x65: {  	_ =	shalt  }
0x66: {  	_ =	shalt  }
0x67: {  	_ =	shalt  }
0x68: {  	_ =	shalt  }
0x69: {  	_ =	shalt  }
0x6a: {  	_ =	shalt  }
0x6b: {  	_ =	shalt  }
0x6c: {  	_ =	shalt  }
0x6d: {  	_ =	shalt  }
0x6e: {  	_ =	shalt  }
0x6f: {  	_ =	shalt  }
0x70: {  	_ =	shalt  }
0x71: {  	_ =	shalt  }
0x72: {  	_ =	shalt  }
0x73: {  	_ =	shalt  }
0x74: {  	_ =	shalt  }
0x75: {  	_ =	shalt  }
0x76: {  	_ =	shalt  }
0x77: {  	_ =	shalt  }
0x78: {  	_ =	shalt  }
0x79: {  	_ =	shalt  }
0x7a: {  	_ =	shalt  }
0x7b: {  	_ =	shalt  }
0x7c: {  	_ =	shalt  }
0x7d: {  	_ =	shalt  }
0x7e: {  	_ =	shalt  }
0x7f: {  	_ =	shalt  }
0x80: {  	_ =	shalt  }
0x81: {  	_ =	shalt  }
0x82: {  	_ =	shalt  }
0x83: {  	_ =	shalt  }
0x84: {  	_ =	shalt  }
0x85: {  	_ =	shalt  }
0x86: {  	_ =	shalt  }
0x87: {  	_ =	shalt  }
.Lfunc_end0:
.L_simem_size_0:
called_computation_lowered:
.L_overlay_start_0:
0x88: {  	s2 =	sld [smem:$0x3FD9]  }
0x89: {  	s3 =	sld [smem:$0x3FFE];
	_ =	sdelay $0x1  }
0x8a: {  	s1 =	srdreg.scid  }
0x8b: {  	s0 =	sand.u32 $0x1, s1  }
0x8c: {  	s17 =	sshll.u32 s0, $0xA;
	s2 =	sadd.s32 s3, s2  }
0x8d: {  	s2 =	sadd.s32 s2, s17  }
0x8e: {  	[smem:$0x3FC6] =	sst s2  }
0x8f: {  	_ = 	snop  }
0x90: {  	s2 =	sld [smem:$0x3FD0];
	(tm) =	ssettm $0x1  }
0x91: {  	s18 =	sld [smem:$0x3FFB];
	_ =	sdelay $0x3  }
0x92: {  	_ =	strace s18  }
0x93: {  	s3 =	sld [smem:$0x3FFC];
	_ =	sdelay $0x3  }
0x94: {  	_ =	strace s3  }
0x95: {  	s3 =	sld [smem:$0x3FFD];
	_ =	sdelay $0x3  }
0x96: {  	_ =	strace s3  }
0x97: {  	_ =	strace $0x8FFFFFFF  }
0x98: {  	s19 =	sld [smem:$0x3FDB];
	_ =	sdelay $0x1  }
0x99: {  	s4 =	simm.s32 $_scs_section_size  }
0x9a: {  	s5 =	simm.s32 $_size__tile_overlayer_lowered;
	s6 =	simm.s32 $_tile_overlayer_lowered  }
0x9b: {  	s22 =	simm.s32 $0x1BFF;
	s21 =	sshll.u32 s6, $0x1;
	s3 =	sadd.s32 s4, s19  }
0x9c: {  	s7 =	simm.s32 $0x0;
	s20 =	sshll.u32 s5, $0x1;
	s5 =	sadd.s32 s21, s3  }
0x9d: {  	[timem:s7], [sflag:s22] =	dma.local [hbm:s5], s20  }
0x9e: {  	_ =	swait.ge [sflag:s22], s20  }
0x9f: {  	s4 =	ssub.s32 $0x0, s20;
	[sflag:s22] =	ssyncset.done $0x0  }
0xa0: {  	[sflag:s22] =	ssyncadd.s32 s4;
	_ =	sdelay $0x1  }
0xa1: {  	s23 =	simm.s32 $0x1B8B  }
0xa2: {  	_ =	swait.ge [sflag:s23], $0x1  }
0xa3: {  	[sflag:s23] =	ssyncset.done $0x0  }
0xa4: {  	s25 =	simm.s32 $0x1B8E;
	s24 =	sld [smem:$0x3FFE];
	[sflag:s23] =	ssyncadd.s32 $0xFFFFFFFF  }
0xa5: {  	s26 =	simm.s32 $execute0_lowered;
	[smem:$0x3FD2] =	sst s25  }
0xa6: {  	s5 =	sshll.u32 s26, $0x1;
	_ =	strace $0x80000046;
	[dreg:$0x1] =	wrdreg $0xFFFFFFFF  }
0xa7: {  	s28 =	simm.s32 $_size_execute0_lowered;
	s3 =	sadd.s32 s3, s5;
	[dreg:$0x0] =	wrdreg $0x0  }
0xa8: {  	s5 =	sshll.u32 s28, $0x1;
	[dreg:$0x2] =	wrdreg s3  }
0xa9: {  	[dreg:$0x3] =	wrdreg s5  }
0xaa: {  	[dreg:$0x4] =	wrdreg $0xC0  }
0xab: {  	_ =	task [dreg:s7], $0x5FFFF  }
0xac: {  	[dreg:$0x1] =	wrdreg $0xFFFFFFFF  }
0xad: {  	[dreg:$0x0] =	wrdreg $0x60  }
0xae: {  	[dreg:$0x2] =	wrdreg s24  }
0xaf: {  	[dreg:$0x3] =	wrdreg s2  }
0xb0: {  	[dreg:$0x4] =	wrdreg $0x9  }
0xb1: {  	_ =	task.clear_ibuf [dreg:s7], $0x5FFFF;
	_ =	strace $0x90000046  }
0xb2: {  	s29 =	simm.s32 $0x9;
	_ =	strace $0x80000048  }
0xb3: {  	_ =	swait.ge [sflag:s29], $0x1  }
0xb4: {  	[sflag:s29] =	ssyncadd.s32 $0xFFFFFFFF  }
0xb5: {  	_ =	strace $0x90000048  }
0xb6: {  	_ =	sfence  }
0xb7: {  	s30 =	sld [smem:$0x0];
	_ =	sdelay $0x2  }
0xb8: {  	s31 =	sshll.u32 s1, $0xD;
	s1 =	sshrl.u32 s1, $0x2  }
0xb9: {  	s3 =	sand.u32 $0x4000, s31;
	s1 =	sadd.s32 s1, s30  }
0xba: {  	s0 =	sor.u32 s3, s0;
	s1 =	sshll.u32 s1, $0x11  }
0xbb: {  	s0 =	sor.u32 s1, s0  }
0xbc: {  	s0 =	sadd.s32 $0x8F2B, s0  }
0xbd: {  	[sflag:s0] =	ssyncadd.remote.s32 $0x1  }
0xbe: {  	_ =	sfence.sel $0xFFFF  }
0xbf: {  	[dreg:$0x0] =	wrdreg $0xFFFFFFFF;
	(pc) =	sbr.abs _section_cstart, $3  }
0xc0: {  	[dreg:$0x1] =	wrdreg $0xFFFFFFFF  }
0xc1: {  	_ =	task.clear_ibuf [dreg:s7], $0x2FFFF;
	_ =	strace $0x9FFFFFFF  }
0xc2: {  	(tm) =	ssettm $0x7FFFFFFF  }
0xc3: {  	_ =	shalt  }
tec
execute0_lowered:
.L_overlay_start_1:
0x0: {  	(tag) =	ssettag $0x1  }
0x1: {  	s0 =	rddreg [dreg:$0x0];
	s1 =	srdreg.scid;
	s3 =	simm.s32 $0x0  }
0x2: {  	s2 =	stileid.u32;
	s12 =	simm.s32 $0x5;
	s13 =	simm.s32 $0x80  }
0x3: {  	s14 =	simm.s32 $0x400;
	s15 =	simm.s32 $0x100;
	s16 =	simm.s32 $0x28  }
0x4: {  	s28 =	simm.s32 $0x6600;
	s29 =	simm.s32 $0x128;
	s30 =	simm.s32 $0x7A00  }
0x5: {  	s31 =	simm.s32 $0x150;
	s11 =	simm.s32 $0x1A0;
	s9 =	simm.s32 $0xB600  }
0x6: {  	s10 =	simm.s32 $0x2;
	s17 =	simm.s32 $0x3;
	s18 =	simm.s32 $0x4  }
0x7: {  	s20 =	simm.s32 $0x0;
	s1 =	sand.u32 $0x1, s1;
	[smem:$0x7FF] =	sst s3  }
0x8: {  	s2 =	sshll.u32 s2, $0x8;
	s5 =	sadd.s32 $0x600, s0;
	s6 =	sadd.s32 $0x20600, s0  }
0x9: {  	s8 =	sadd.s32 $0x1A7000, s0;
	s0 =	simm.s32 $0x8E00;
	s4 =	sshll.u32 s1, $0x7  }
0xa: {  	_ =	strace $0x80000047;
	s1 =	ssub.s32 $0x2, s1;
	s4 =	sor.u32 s4, s2  }
.Ltmp0:
0xb: {  	s23 =	sshrl.u32 s1, $0x1;
	s7 =	sshll.u32 s4, $0x5;
	(pc) =	sbr.rel .LBB2_1-.Ltmp0, $4  }
0xc: {  	s2 =	simm.s32 $0xA200;
	s1 =	ssub.s32 s1, s23;
	s24 =	sadd.s32 s5, s7  }
0xd: {  	s26 =	smax.u32 s1, $0x1;
	s1 =	simm.s32 $0x178;
	[dreg:$0x3] =	wrdreg s24  }
0xe: {  	s7 =	simm.s32 $0x12E00;
	s25 =	sadd.s32 $0x10, s24;
	[dreg:$0x5] =	wrdreg s26  }
0xf: {  	s26 =	simm.s32 $0xCA00;
	[dreg:$0x4] =	wrdreg s25;
	s25 =	simm.s32 $0x1  }
.LBB2_10:
0x10: {  	_ =	swait.ge [sflag:s17], $0x6400  }
0x11: {  	[sflag:s17] =	ssyncset.done $0x0  }
0x12: {  	[sflag:s17] =	ssyncadd.s32 $0xFFFF9C00  }
0x13: {  	_ =	swait.ge [sflag:s18], $0x6400  }
0x14: {  	s20 =	rddreg [dreg:$0x6]  }
0x15: {  	s19 =	rddreg [dreg:$0x5];
	s20 =	sadd.s32 $0x1, s20  }
0x16: {  	p0 =	sne.s32 s20, s19  }
.Ltmp1:
0x17: {  	_ = 	snop;
	(pc) =	sbr.rel @!p0 .LBB2_11-.Ltmp1, $3  }
0x18: {  	_ =	sdelay $0x1  }
0x19: {  	[sflag:s18] =	ssyncset.done $0x0  }
0x1a: {  	[sflag:s18] =	ssyncadd.s32 $0xFFFF9C00  }
.LBB2_1:
0x1b: {  	[dreg:$0x6] =	wrdreg s20  }
0x1c: {  	s19 =	rddreg [dreg:$0x1];
	s23 =	simm.s32 $0x19200  }
0x1d: {  	[tilespmem:s23], [sflag:$0x5] =	stream.linear.gather [hbm4b:s19+s3], $0x3200, $0x38;
	[tilespmem:$0x1C600] =	vst v63  }
0x1e: {  	_ =	swait.ge [sflag:s12], $0x3200  }
0x1f: {  	[sflag:s12] =	ssyncset.done $0x0  }
0x20: {  	s24 =	rddreg [dreg:$0x3];
	[sflag:s12] =	ssyncadd.s32 $0xFFFFCE00  }
0x21: {  	[tilespmem:s3], [sflag:$0x5] =	stream.strided.gather [hbm4b:s24+s13], $0x100, s14, s13, $0x38;
	[tilespmem:$0x1C600] =	vst v63  }
0x22: {  	_ =	swait.ge [sflag:s12], $0x100  }
0x23: {  	[sflag:s12] =	ssyncset.done $0x0  }
0x24: {  	s20 =	rddreg [dreg:$0x4];
	[sflag:s12] =	ssyncadd.s32 $0xFFFFFF00  }
0x25: {  	[tilespmem:s15], [sflag:$0x5] =	stream.strided.gather [hbm4b:s20+s13], $0x100, s14, s13, $0x38;
	[tilespmem:$0x1C600] =	vst v63  }
0x26: {  	_ =	swait.ge [sflag:s12], $0x100  }
0x27: {  	[sflag:s12] =	ssyncset.done $0x0  }
0x28: {  	s21 =	simm.s32 $0x200;
	[sflag:s12] =	ssyncadd.s32 $0xFFFFFF00  }
0x29: {  	[tilespmem:s21], [sflag:$0x1] =	stream.indirect.gather [hbm4b:s6+s16], $0x80, s3, s16, $0xb8;
	[tilespmem:$0x1C600] =	vst v63  }
0x2a: {  	s22 =	simm.s32 $0x1600  }
0x2b: {  	[tilespmem:s22], [sflag:$0x1] =	stream.indirect.gather [hbm4b:s6+s16], $0x80, s16, s16, $0xb8;
	[tilespmem:$0x1C600] =	vst v63  }
0x2c: {  	s23 =	simm.s32 $0x50;
	s24 =	simm.s32 $0x2A00  }
0x2d: {  	[tilespmem:s24], [sflag:$0x1] =	stream.indirect.gather [hbm4b:s6+s16], $0x80, s23, s16, $0xb8;
	[tilespmem:$0x1C600] =	vst v63  }
0x2e: {  	s21 =	simm.s32 $0x78;
	s22 =	simm.s32 $0x3E00  }
0x2f: {  	[tilespmem:s22], [sflag:$0x1] =	stream.indirect.gather [hbm4b:s6+s16], $0x80, s21, s16, $0xb8;
	[tilespmem:$0x1C600] =	vst v63  }
0x30: {  	s19 =	simm.s32 $0x0;
	s23 =	simm.s32 $0xA0;
	s24 =	simm.s32 $0x5200  }
0x31: {  	[tilespmem:s24], [sflag:$0x1] =	stream.indirect.gather [hbm4b:s6+s16], $0x80, s23, s16, $0xb8;
	[tilespmem:$0x1C600] =	vst v63  }
.LBB2_2:
0x32: {  	_ =	swait.ge [sflag:s25], $0x1400  }
0x33: {  	[sflag:s25] =	ssyncset.done $0x0  }
0x34: {  	[sflag:s25] =	ssyncadd.s32 $0xFFFFEC00  }
0x35: {  	_ =	swait.ge [sflag:s25], $0x1400  }
0x36: {  	[sflag:s25] =	ssyncset.done $0x0  }
0x37: {  	[sflag:s25] =	ssyncadd.s32 $0xFFFFEC00  }
0x38: {  	_ =	swait.ge [sflag:s25], $0x1400  }
0x39: {  	[sflag:s25] =	ssyncset.done $0x0  }
0x3a: {  	[sflag:s25] =	ssyncadd.s32 $0xFFFFEC00  }
0x3b: {  	_ =	swait.ge [sflag:s25], $0x1400  }
0x3c: {  	[sflag:s25] =	ssyncset.done $0x0  }
0x3d: {  	[sflag:s25] =	ssyncadd.s32 $0xFFFFEC00  }
0x3e: {  	_ =	swait.ge [sflag:s25], $0x1400  }
0x3f: {  	[sflag:s25] =	ssyncset.done $0x0  }
0x40: {  	s20 =	simm.s32 $0x0;
	[sflag:s25] =	ssyncadd.s32 $0xFFFFEC00  }
0x41: {  	v0 =	vld [tilespmem:s20+$0x34B0]  }
0x42: {  	v1 =	vld [tilespmem:s20+$0x192F0]  }
0x43: {  	v2 =	vld [tilespmem:s20+$0x200]  }
0x44: {  	v3 =	vld [tilespmem:s20+$0x19200]  }
0x45: {  	v4 =	vld [tilespmem:s20+$0x3400]  }
0x46: {  	v5 =	vld [tilespmem:s20+$0x19240]  }
0x47: {  	v6 =	vld [tilespmem:s20+$0x210]  }
0x48: {  	v7 =	vld [tilespmem:s20+$0x3410]  }
0x49: {  	v0 =	vadd.f32 v1, v0;
	v1 =	vld [tilespmem:s20+$0x19210]  }
0x4a: {  	v2 =	vadd.f32 v3, v2;
	v3 =	vld [tilespmem:s20+$0x220]  }
0x4b: {  	[tilespmem:s20+$0xFCB0] =	vst v0;
	v0 =	vld [tilespmem:s20+$0x19250]  }
0x4c: {  	[tilespmem:s20+$0xCA00] =	vst v2;
	v2 =	vadd.f32 v5, v4;
	v4 =	vld [tilespmem:s20+$0x19220]  }
0x4d: {  	v5 =	vld [tilespmem:s20+$0x19260]  }
0x4e: {  	[tilespmem:s20+$0xFC00] =	vst v2;
	v2 =	vld [tilespmem:s20+$0x3420];
	v1 =	vadd.f32 v1, v6  }
0x4f: {  	v6 =	vld [tilespmem:s20+$0x19230]  }
0x50: {  	[tilespmem:s20+$0xCA10] =	vst v1;
	v0 =	vadd.f32 v0, v7;
	v1 =	vld [tilespmem:s20+$0x230]  }
0x51: {  	v7 =	vld [tilespmem:s20+$0x192D0]  }
0x52: {  	[tilespmem:s20+$0xFC10] =	vst v0;
	v0 =	vadd.f32 v4, v3;
	v3 =	vld [tilespmem:s20+$0x3430]  }
0x53: {  	v4 =	vld [tilespmem:s20+$0x19270]  }
0x54: {  	[tilespmem:s20+$0xCA20] =	vst v0;
	v0 =	vadd.f32 v5, v2;
	v2 =	vld [tilespmem:s20+$0x280]  }
0x55: {  	v5 =	vld [tilespmem:s20+$0x19280]  }
0x56: {  	[tilespmem:s20+$0xFC20] =	vst v0;
	v0 =	vadd.f32 v6, v1;
	v1 =	vld [tilespmem:s20+$0x3480]  }
0x57: {  	v6 =	vld [tilespmem:s20+$0x192C0]  }
0x58: {  	[tilespmem:s20+$0xCA30] =	vst v0;
	v0 =	vadd.f32 v4, v3;
	v3 =	vld [tilespmem:s20+$0x290]  }
0x59: {  	v4 =	vld [tilespmem:s20+$0x19290]  }
0x5a: {  	[tilespmem:s20+$0xFC30] =	vst v0;
	v0 =	vadd.f32 v5, v2;
	v5 =	vld [tilespmem:s20+$0x3490]  }
0x5b: {  	v8 =	vld [tilespmem:s20+$0x192A0]  }
0x5c: {  	[tilespmem:s20+$0xCA80] =	vst v0;
	v0 =	vadd.f32 v6, v1;
	v6 =	vld [tilespmem:s20+$0x2A0]  }
0x5d: {  	v2 =	vld [tilespmem:s20+$0x34A0]  }
0x5e: {  	[tilespmem:s20+$0xFC80] =	vst v0;
	v0 =	vadd.f32 v4, v3;
	v3 =	vld [tilespmem:s20+$0x192E0]  }
0x5f: {  	v4 =	vld [tilespmem:s20+$0x192B0];
	v5 =	vadd.f32 v7, v5  }
0x60: {  	s21 =	simm.s32 $0x100;
	[tilespmem:s20+$0xCA90] =	vst v0;
	v0 =	vld [tilespmem:s20+$0x2B0]  }
0x61: {  	s22 =	simm.s32 $0x800;
	v1 =	vld [tilespmem:s21+$0x34B0];
	[tilespmem:s20+$0xFC90] =	vst v5;
	v5 =	vadd.f32 v8, v6  }
.LBB2_3:
0x62: {  	p0 =	sne.s32 s22, $0xC400;
	v6 =	vld [tilespmem:s21+$0x192F0]  }
0x63: {  	v7 =	vld [tilespmem:s21+$0x200];
	[tilespmem:s20+$0xCAA0] =	vst v5;
	v2 =	vadd.f32 v3, v2  }
0x64: {  	v3 =	vld [tilespmem:s21+$0x19200]  }
0x65: {  	v5 =	vld [tilespmem:s21+$0x3400];
	[tilespmem:s20+$0xFCA0] =	vst v2;
	v0 =	vadd.f32 v4, v0  }
0x66: {  	v2 =	vld [tilespmem:s21+$0x19240]  }
0x67: {  	v4 =	vld [tilespmem:s21+$0x210];
	v1 =	vadd.f32 v6, v1;
	[tilespmem:s20+$0xCAB0] =	vst v0;
	s20 =	smov.u32 s21  }
0x68: {  	v0 =	vld [tilespmem:s20+$0x19210]  }
0x69: {  	v3 =	vadd.f32 v3, v7;
	v6 =	vld [tilespmem:s20+$0x3410];
	[tilespmem:s20+$0xFCB0] =	vst v1  }
0x6a: {  	v1 =	vld [tilespmem:s20+$0x19250]  }
0x6b: {  	[tilespmem:s20+$0xCA00] =	vst v3;
	v2 =	vadd.f32 v2, v5;
	v3 =	vld [tilespmem:s20+$0x220]  }
0x6c: {  	v5 =	vld [tilespmem:s20+$0x19220]  }
0x6d: {  	[tilespmem:s20+$0xFC00] =	vst v2;
	v0 =	vadd.f32 v0, v4;
	v2 =	vld [tilespmem:s20+$0x3420]  }
0x6e: {  	v4 =	vld [tilespmem:s20+$0x19260]  }
0x6f: {  	[tilespmem:s20+$0xCA10] =	vst v0;
	v0 =	vadd.f32 v1, v6;
	v1 =	vld [tilespmem:s20+$0x230]  }
0x70: {  	v6 =	vld [tilespmem:s20+$0x19230]  }
0x71: {  	[tilespmem:s20+$0xFC10] =	vst v0;
	v0 =	vadd.f32 v5, v3;
	v3 =	vld [tilespmem:s20+$0x3430]  }
0x72: {  	v5 =	vld [tilespmem:s20+$0x19270]  }
0x73: {  	[tilespmem:s20+$0xCA20] =	vst v0;
	v0 =	vadd.f32 v4, v2;
	v2 =	vld [tilespmem:s20+$0x280]  }
0x74: {  	v4 =	vld [tilespmem:s20+$0x19280]  }
0x75: {  	[tilespmem:s20+$0xFC20] =	vst v0;
	v0 =	vadd.f32 v6, v1;
	v1 =	vld [tilespmem:s20+$0x3480]  }
0x76: {  	v6 =	vld [tilespmem:s20+$0x192C0]  }
0x77: {  	[tilespmem:s20+$0xCA30] =	vst v0;
	v0 =	vadd.f32 v5, v3;
	v3 =	vld [tilespmem:s20+$0x290]  }
0x78: {  	v5 =	vld [tilespmem:s20+$0x19290]  }
0x79: {  	[tilespmem:s20+$0xFC30] =	vst v0;
	v0 =	vadd.f32 v4, v2;
	v4 =	vld [tilespmem:s20+$0x3490]  }
0x7a: {  	v7 =	vld [tilespmem:s20+$0x192D0]  }
0x7b: {  	[tilespmem:s20+$0xCA80] =	vst v0;
	v0 =	vadd.f32 v6, v1;
	v6 =	vld [tilespmem:s20+$0x2A0]  }
0x7c: {  	v8 =	vld [tilespmem:s20+$0x192A0]  }
.Ltmp2:
0x7d: {  	[tilespmem:s20+$0xFC80] =	vst v0;
	v0 =	vadd.f32 v5, v3;
	v2 =	vld [tilespmem:s20+$0x34A0];
	(pc) =	sbr.rel @p0 .LBB2_3-.Ltmp2, $4  }
0x7e: {  	v3 =	vld [tilespmem:s20+$0x192E0]  }
0x7f: {  	[tilespmem:s20+$0xCA90] =	vst v0;
	v5 =	vadd.f32 v7, v4;
	v0 =	vld [tilespmem:s20+$0x2B0]  }
0x80: {  	s21 =	sshra.s32 s22, $0x2;
	v4 =	vld [tilespmem:s20+$0x192B0]  }
0x81: {  	s22 =	sadd.s32 $0x400, s22;
	v1 =	vld [tilespmem:s21+$0x34B0];
	[tilespmem:s20+$0xFC90] =	vst v5;
	v5 =	vadd.f32 v8, v6  }
0x82: {  	v6 =	vld [tilespmem:s21+$0x192F0]  }
0x83: {  	v7 =	vld [tilespmem:s21+$0x200];
	[tilespmem:s20+$0xCAA0] =	vst v5;
	v2 =	vadd.f32 v3, v2  }
0x84: {  	v28 =	vld [tilespmem:s21+$0x19200]  }
0x85: {  	v5 =	vld [tilespmem:s21+$0x3400];
	[tilespmem:s20+$0xFCA0] =	vst v2;
	v0 =	vadd.f32 v4, v0  }
0x86: {  	v2 =	vld [tilespmem:s21+$0x19240]  }
0x87: {  	v29 =	vld [tilespmem:s21+$0x210];
	[tilespmem:s20+$0xCAB0] =	vst v0  }
0x88: {  	v31 =	vld [tilespmem:s21+$0x19210]  }
0x89: {  	v32 =	vld [tilespmem:s21+$0x3410]  }
0x8a: {  	v33 =	vld [tilespmem:s21+$0x19250]  }
0x8b: {  	v34 =	vld [tilespmem:s21+$0x220]  }
0x8c: {  	v35 =	vld [tilespmem:s21+$0x19220]  }
0x8d: {  	v36 =	vld [tilespmem:s21+$0x3420]  }
0x8e: {  	v37 =	vld [tilespmem:s21+$0x19260]  }
0x8f: {  	v38 =	vld [tilespmem:s21+$0x230]  }
0x90: {  	v39 =	vld [tilespmem:s21+$0x19230]  }
0x91: {  	v41 =	vld [tilespmem:s21+$0x3430]  }
0x92: {  	v42 =	vld [tilespmem:s21+$0x19270]  }
0x93: {  	v44 =	vld [tilespmem:s21+$0x280]  }
0x94: {  	v45 =	vld [tilespmem:s21+$0x19280]  }
0x95: {  	v47 =	vld [tilespmem:s21+$0x3480]  }
0x96: {  	v30 =	vadd.f32 v6, v1;
	v48 =	vld [tilespmem:s21+$0x192C0]  }
0x97: {  	v50 =	vld [tilespmem:s21+$0x290];
	v3 =	vadd.f32 v28, v7  }
0x98: {  	v51 =	vld [tilespmem:s21+$0x19290];
	[tilespmem:s21+$0xFCB0] =	vst v30;
	v2 =	vadd.f32 v2, v5  }
0x99: {  	v53 =	vld [tilespmem:s21+$0x3490];
	[tilespmem:s21+$0xCA00] =	vst v3;
	v1 =	vadd.f32 v31, v29  }
0x9a: {  	v54 =	vld [tilespmem:s21+$0x192D0];
	[tilespmem:s21+$0xFC00] =	vst v2;
	v0 =	vadd.f32 v33, v32  }
0x9b: {  	v56 =	vld [tilespmem:s21+$0x2A0];
	v40 =	vadd.f32 v35, v34;
	[tilespmem:s21+$0xCA10] =	vst v1  }
0x9c: {  	v57 =	vld [tilespmem:s21+$0x192A0];
	v43 =	vadd.f32 v37, v36;
	[tilespmem:s21+$0xFC10] =	vst v0  }
0x9d: {  	v59 =	vld [tilespmem:s21+$0x34A0];
	v46 =	vadd.f32 v39, v38;
	[tilespmem:s21+$0xCA20] =	vst v40  }
0x9e: {  	v60 =	vld [tilespmem:s21+$0x192E0];
	v49 =	vadd.f32 v42, v41;
	[tilespmem:s21+$0xFC20] =	vst v43  }
0x9f: {  	v61 =	vld [tilespmem:s21+$0x2B0];
	v52 =	vadd.f32 v45, v44;
	[tilespmem:s21+$0xCA30] =	vst v46  }
0xa0: {  	v62 =	vld [tilespmem:s21+$0x192B0];
	v55 =	vadd.f32 v48, v47;
	[tilespmem:s21+$0xFC30] =	vst v49  }
0xa1: {  	v58 =	vadd.f32 v51, v50;
	[tilespmem:s21+$0xCA80] =	vst v52  }
0xa2: {  	v2 =	vadd.f32 v54, v53;
	[tilespmem:s21+$0xFC80] =	vst v55  }
0xa3: {  	s20 =	sshll.u32 s19, $0x1;
	v63 =	vadd.f32 v60, v59;
	[tilespmem:s21+$0xCA90] =	vst v58  }
0xa4: {  	s22 =	sor.u32 s4, s20;
	v1 =	vadd.f32 v57, v56;
	[tilespmem:s21+$0xFC90] =	vst v2  }
0xa5: {  	s23 =	smul.u32 $0xC80, s22;
	v0 =	vadd.f32 v62, v61;
	[tilespmem:s21+$0xFCA0] =	vst v63  }
0xa6: {  	p0 =	seq.s32 s19, $0x3F;
	[tilespmem:s21+$0xCAA0] =	vst v1  }
0xa7: {  	s24 =	sadd.s32 s8, s23;
	[tilespmem:s21+$0xCAB0] =	vst v0;
	s21 =	sadd.s32 @!p0 $0x2, s22  }
0xa8: {  	[hbm4b:s24+s3] =	stream.linear.scatter [tilespmem:s26], [sflag:$0x3], $0x6400, $0x38;
	[tilespmem:$0x1C600] =	vst v63  }
0xa9: {  	p1 =	seq.s32 @!p0 s19, $0x0;
	s22 =	sshll.u32 @!p0 s21, $0x4  }
0xaa: {  	p1 =	por p0, !p1;
	s21 =	sshll.u32 @!p0 s21, $0x5;
	s22 =	sand.u32 @!p0 $0x60, s22  }
0xab: {  	s23 =	simm.s32 @!p0 $0x400;
	s21 =	sand.u32 @!p0 $0xFFFFF00, s21;
	s22 =	sadd.s32 @!p0 s5, s22  }
0xac: {  	s24 =	simm.s32 @!p0 $0x0;
	s21 =	sadd.s32 @!p0 s21, s22;
	s22 =	simm.s32 @!p0 $0x80  }
0xad: {  	[tilespmem:s24], [sflag:$0x5] =	stream.strided.gather @!p0 [hbm4b:s21+s22], $0x100, s23, s22, $0x38;
	[tilespmem:$0x1C600] =	vst v63  }
.Ltmp3:
0xae: {  	_ = 	snop;
	(pc) =	sbr.rel @!p1 .LBB2_6-.Ltmp3, $4  }
0xaf: {  	s21 =	simm.s32 @!p0 $0x5  }
0xb0: {  	_ =	swait.ge @!p0 [sflag:s21], $0x100  }
0xb1: {  	[sflag:s21] =	ssyncset.done @!p0 $0x0  }
0xb2: {  	s20 =	sor.u32 @!p0 $0x1, s20;
	[sflag:s21] =	ssyncadd.s32 @!p0 $0xFFFFFF00  }
0xb3: {  	_ =	swait.ge [sflag:s18], $0x6400  }
0xb4: {  	[sflag:s18] =	ssyncset.done $0x0  }
0xb5: {  	s20 =	simm.s32 @p0 $0x7F;
	[sflag:s18] =	ssyncadd.s32 $0xFFFF9C00  }
.LBB2_6:
0xb6: {  	[tilespmem:s28], [sflag:$0x2] =	stream.indirect.gather [hbm4b:s6+s16], $0x80, s15, s16, $0xb8;
	[tilespmem:$0x1C600] =	vst v63  }
0xb7: {  	_ = 	snop  }
0xb8: {  	[tilespmem:s30], [sflag:$0x2] =	stream.indirect.gather [hbm4b:s6+s16], $0x80, s29, s16, $0xb8;
	[tilespmem:$0x1C600] =	vst v63  }
0xb9: {  	_ = 	snop  }
0xba: {  	[tilespmem:s0], [sflag:$0x2] =	stream.indirect.gather [hbm4b:s6+s16], $0x80, s31, s16, $0xb8;
	[tilespmem:$0x1C600] =	vst v63  }
0xbb: {  	_ = 	snop  }
0xbc: {  	[tilespmem:s2], [sflag:$0x2] =	stream.indirect.gather [hbm4b:s6+s16], $0x80, s1, s16, $0xb8;
	[tilespmem:$0x1C600] =	vst v63  }
0xbd: {  	_ = 	snop  }
0xbe: {  	[tilespmem:s9], [sflag:$0x2] =	stream.indirect.gather [hbm4b:s6+s16], $0x80, s11, s16, $0xb8;
	[tilespmem:$0x1C600] =	vst v63  }
0xbf: {  	_ =	swait.ge [sflag:s10], $0x1400  }
0xc0: {  	[sflag:s10] =	ssyncset.done $0x0  }
0xc1: {  	[sflag:s10] =	ssyncadd.s32 $0xFFFFEC00  }
0xc2: {  	_ =	swait.ge [sflag:s10], $0x1400  }
0xc3: {  	[sflag:s10] =	ssyncset.done $0x0  }
0xc4: {  	[sflag:s10] =	ssyncadd.s32 $0xFFFFEC00  }
0xc5: {  	_ =	swait.ge [sflag:s10], $0x1400  }
0xc6: {  	[sflag:s10] =	ssyncset.done $0x0  }
0xc7: {  	[sflag:s10] =	ssyncadd.s32 $0xFFFFEC00  }
0xc8: {  	_ =	swait.ge [sflag:s10], $0x1400  }
0xc9: {  	[sflag:s10] =	ssyncset.done $0x0  }
0xca: {  	[sflag:s10] =	ssyncadd.s32 $0xFFFFEC00  }
0xcb: {  	_ =	swait.ge [sflag:s10], $0x1400  }
0xcc: {  	[sflag:s10] =	ssyncset.done $0x0  }
0xcd: {  	s21 =	simm.s32 $0x0;
	[sflag:s10] =	ssyncadd.s32 $0xFFFFEC00  }
0xce: {  	v0 =	vld [tilespmem:s21+$0x98B0]  }
0xcf: {  	v1 =	vld [tilespmem:s21+$0x192F0]  }
0xd0: {  	v2 =	vld [tilespmem:s21+$0x6600]  }
0xd1: {  	v3 =	vld [tilespmem:s21+$0x19200]  }
0xd2: {  	v4 =	vld [tilespmem:s21+$0x9800]  }
0xd3: {  	v5 =	vld [tilespmem:s21+$0x19240]  }
0xd4: {  	v6 =	vld [tilespmem:s21+$0x6610]  }
0xd5: {  	v7 =	vld [tilespmem:s21+$0x9810]  }
0xd6: {  	v0 =	vadd.f32 v1, v0;
	v1 =	vld [tilespmem:s21+$0x19210]  }
0xd7: {  	v2 =	vadd.f32 v3, v2;
	v3 =	vld [tilespmem:s21+$0x6620]  }
0xd8: {  	[tilespmem:s21+$0x160B0] =	vst v0;
	v0 =	vld [tilespmem:s21+$0x19250]  }
0xd9: {  	[tilespmem:s21+$0x12E00] =	vst v2;
	v2 =	vadd.f32 v5, v4;
	v4 =	vld [tilespmem:s21+$0x19220]  }
0xda: {  	v5 =	vld [tilespmem:s21+$0x19260]  }
0xdb: {  	[tilespmem:s21+$0x16000] =	vst v2;
	v2 =	vld [tilespmem:s21+$0x9820];
	v1 =	vadd.f32 v1, v6  }
0xdc: {  	v6 =	vld [tilespmem:s21+$0x19230]  }
0xdd: {  	[tilespmem:s21+$0x12E10] =	vst v1;
	v0 =	vadd.f32 v0, v7;
	v1 =	vld [tilespmem:s21+$0x6630]  }
0xde: {  	v7 =	vld [tilespmem:s21+$0x192D0]  }
0xdf: {  	[tilespmem:s21+$0x16010] =	vst v0;
	v0 =	vadd.f32 v4, v3;
	v3 =	vld [tilespmem:s21+$0x9830]  }
0xe0: {  	v4 =	vld [tilespmem:s21+$0x19270]  }
0xe1: {  	[tilespmem:s21+$0x12E20] =	vst v0;
	v0 =	vadd.f32 v5, v2;
	v2 =	vld [tilespmem:s21+$0x6680]  }
0xe2: {  	v5 =	vld [tilespmem:s21+$0x19280]  }
0xe3: {  	[tilespmem:s21+$0x16020] =	vst v0;
	v0 =	vadd.f32 v6, v1;
	v1 =	vld [tilespmem:s21+$0x9880]  }
0xe4: {  	v6 =	vld [tilespmem:s21+$0x192C0]  }
0xe5: {  	[tilespmem:s21+$0x12E30] =	vst v0;
	v0 =	vadd.f32 v4, v3;
	v3 =	vld [tilespmem:s21+$0x6690]  }
0xe6: {  	v4 =	vld [tilespmem:s21+$0x19290]  }
0xe7: {  	[tilespmem:s21+$0x16030] =	vst v0;
	v0 =	vadd.f32 v5, v2;
	v5 =	vld [tilespmem:s21+$0x9890]  }
0xe8: {  	v8 =	vld [tilespmem:s21+$0x192A0]  }
0xe9: {  	[tilespmem:s21+$0x12E80] =	vst v0;
	v0 =	vadd.f32 v6, v1;
	v6 =	vld [tilespmem:s21+$0x66A0]  }
0xea: {  	v2 =	vld [tilespmem:s21+$0x98A0]  }
0xeb: {  	[tilespmem:s21+$0x16080] =	vst v0;
	v0 =	vadd.f32 v4, v3;
	v3 =	vld [tilespmem:s21+$0x192E0]  }
0xec: {  	v4 =	vld [tilespmem:s21+$0x192B0];
	v5 =	vadd.f32 v7, v5  }
0xed: {  	s23 =	simm.s32 $0x100;
	[tilespmem:s21+$0x12E90] =	vst v0;
	v0 =	vld [tilespmem:s21+$0x66B0]  }
0xee: {  	s22 =	simm.s32 $0x800;
	v1 =	vld [tilespmem:s23+$0x98B0];
	[tilespmem:s21+$0x16090] =	vst v5;
	v5 =	vadd.f32 v8, v6  }
.LBB2_7:
0xef: {  	p1 =	sne.s32 s22, $0xC400;
	v6 =	vld [tilespmem:s23+$0x192F0]  }
0xf0: {  	v7 =	vld [tilespmem:s23+$0x6600];
	[tilespmem:s21+$0x12EA0] =	vst v5;
	v2 =	vadd.f32 v3, v2  }
0xf1: {  	v3 =	vld [tilespmem:s23+$0x19200]  }
0xf2: {  	v5 =	vld [tilespmem:s23+$0x9800];
	[tilespmem:s21+$0x160A0] =	vst v2;
	v0 =	vadd.f32 v4, v0  }
0xf3: {  	v2 =	vld [tilespmem:s23+$0x19240]  }
0xf4: {  	v4 =	vld [tilespmem:s23+$0x6610];
	v1 =	vadd.f32 v6, v1;
	[tilespmem:s21+$0x12EB0] =	vst v0;
	s21 =	smov.u32 s23  }
0xf5: {  	v0 =	vld [tilespmem:s21+$0x19210]  }
0xf6: {  	v3 =	vadd.f32 v3, v7;
	v6 =	vld [tilespmem:s21+$0x9810];
	[tilespmem:s21+$0x160B0] =	vst v1  }
0xf7: {  	v1 =	vld [tilespmem:s21+$0x19250]  }
0xf8: {  	[tilespmem:s21+$0x12E00] =	vst v3;
	v2 =	vadd.f32 v2, v5;
	v3 =	vld [tilespmem:s21+$0x6620]  }
0xf9: {  	v5 =	vld [tilespmem:s21+$0x19220]  }
0xfa: {  	[tilespmem:s21+$0x16000] =	vst v2;
	v0 =	vadd.f32 v0, v4;
	v2 =	vld [tilespmem:s21+$0x9820]  }
0xfb: {  	v4 =	vld [tilespmem:s21+$0x19260]  }
0xfc: {  	[tilespmem:s21+$0x12E10] =	vst v0;
	v0 =	vadd.f32 v1, v6;
	v1 =	vld [tilespmem:s21+$0x6630]  }
0xfd: {  	v6 =	vld [tilespmem:s21+$0x19230]  }
0xfe: {  	[tilespmem:s21+$0x16010] =	vst v0;
	v0 =	vadd.f32 v5, v3;
	v3 =	vld [tilespmem:s21+$0x9830]  }
0xff: {  	v5 =	vld [tilespmem:s21+$0x19270]  }
0x100: {  	[tilespmem:s21+$0x12E20] =	vst v0;
	v0 =	vadd.f32 v4, v2;
	v2 =	vld [tilespmem:s21+$0x6680]  }
0x101: {  	v4 =	vld [tilespmem:s21+$0x19280]  }
0x102: {  	[tilespmem:s21+$0x16020] =	vst v0;
	v0 =	vadd.f32 v6, v1;
	v1 =	vld [tilespmem:s21+$0x9880]  }
0x103: {  	v6 =	vld [tilespmem:s21+$0x192C0]  }
0x104: {  	[tilespmem:s21+$0x12E30] =	vst v0;
	v0 =	vadd.f32 v5, v3;
	v3 =	vld [tilespmem:s21+$0x6690]  }
0x105: {  	v5 =	vld [tilespmem:s21+$0x19290]  }
0x106: {  	[tilespmem:s21+$0x16030] =	vst v0;
	v0 =	vadd.f32 v4, v2;
	v4 =	vld [tilespmem:s21+$0x9890]  }
0x107: {  	v7 =	vld [tilespmem:s21+$0x192D0]  }
0x108: {  	[tilespmem:s21+$0x12E80] =	vst v0;
	v0 =	vadd.f32 v6, v1;
	v6 =	vld [tilespmem:s21+$0x66A0]  }
0x109: {  	v8 =	vld [tilespmem:s21+$0x192A0]  }
.Ltmp4:
0x10a: {  	[tilespmem:s21+$0x16080] =	vst v0;
	v0 =	vadd.f32 v5, v3;
	v2 =	vld [tilespmem:s21+$0x98A0];
	(pc) =	sbr.rel @p1 .LBB2_7-.Ltmp4, $4  }
0x10b: {  	v3 =	vld [tilespmem:s21+$0x192E0]  }
0x10c: {  	[tilespmem:s21+$0x12E90] =	vst v0;
	v5 =	vadd.f32 v7, v4;
	v0 =	vld [tilespmem:s21+$0x66B0]  }
0x10d: {  	s23 =	sshra.s32 s22, $0x2;
	v4 =	vld [tilespmem:s21+$0x192B0]  }
0x10e: {  	s22 =	sadd.s32 $0x400, s22;
	v1 =	vld [tilespmem:s23+$0x98B0];
	[tilespmem:s21+$0x16090] =	vst v5;
	v5 =	vadd.f32 v8, v6  }
0x10f: {  	v6 =	vld [tilespmem:s23+$0x192F0]  }
0x110: {  	v7 =	vld [tilespmem:s23+$0x6600];
	[tilespmem:s21+$0x12EA0] =	vst v5;
	v2 =	vadd.f32 v3, v2  }
0x111: {  	v28 =	vld [tilespmem:s23+$0x19200]  }
0x112: {  	v5 =	vld [tilespmem:s23+$0x9800];
	[tilespmem:s21+$0x160A0] =	vst v2;
	v0 =	vadd.f32 v4, v0  }
0x113: {  	v2 =	vld [tilespmem:s23+$0x19240]  }
0x114: {  	v29 =	vld [tilespmem:s23+$0x6610];
	[tilespmem:s21+$0x12EB0] =	vst v0  }
0x115: {  	v31 =	vld [tilespmem:s23+$0x19210]  }
0x116: {  	v32 =	vld [tilespmem:s23+$0x9810]  }
0x117: {  	v33 =	vld [tilespmem:s23+$0x19250]  }
0x118: {  	v34 =	vld [tilespmem:s23+$0x6620]  }
0x119: {  	v35 =	vld [tilespmem:s23+$0x19220]  }
0x11a: {  	v36 =	vld [tilespmem:s23+$0x9820]  }
0x11b: {  	v37 =	vld [tilespmem:s23+$0x19260]  }
0x11c: {  	v38 =	vld [tilespmem:s23+$0x6630]  }
0x11d: {  	v39 =	vld [tilespmem:s23+$0x19230]  }
0x11e: {  	v41 =	vld [tilespmem:s23+$0x9830]  }
0x11f: {  	v42 =	vld [tilespmem:s23+$0x19270]  }
0x120: {  	v44 =	vld [tilespmem:s23+$0x6680]  }
0x121: {  	v45 =	vld [tilespmem:s23+$0x19280]  }
0x122: {  	v47 =	vld [tilespmem:s23+$0x9880]  }
0x123: {  	v30 =	vadd.f32 v6, v1;
	v48 =	vld [tilespmem:s23+$0x192C0]  }
0x124: {  	v50 =	vld [tilespmem:s23+$0x6690];
	v3 =	vadd.f32 v28, v7  }
0x125: {  	v51 =	vld [tilespmem:s23+$0x19290];
	[tilespmem:s23+$0x160B0] =	vst v30;
	v2 =	vadd.f32 v2, v5  }
0x126: {  	v53 =	vld [tilespmem:s23+$0x9890];
	[tilespmem:s23+$0x12E00] =	vst v3;
	v1 =	vadd.f32 v31, v29  }
0x127: {  	v54 =	vld [tilespmem:s23+$0x192D0];
	[tilespmem:s23+$0x16000] =	vst v2;
	v0 =	vadd.f32 v33, v32  }
0x128: {  	v56 =	vld [tilespmem:s23+$0x66A0];
	v40 =	vadd.f32 v35, v34;
	[tilespmem:s23+$0x12E10] =	vst v1  }
0x129: {  	v57 =	vld [tilespmem:s23+$0x192A0];
	v43 =	vadd.f32 v37, v36;
	[tilespmem:s23+$0x16010] =	vst v0  }
0x12a: {  	v59 =	vld [tilespmem:s23+$0x98A0];
	v46 =	vadd.f32 v39, v38;
	[tilespmem:s23+$0x12E20] =	vst v40  }
0x12b: {  	v60 =	vld [tilespmem:s23+$0x192E0];
	v49 =	vadd.f32 v42, v41;
	[tilespmem:s23+$0x16020] =	vst v43  }
0x12c: {  	v61 =	vld [tilespmem:s23+$0x66B0];
	v52 =	vadd.f32 v45, v44;
	[tilespmem:s23+$0x12E30] =	vst v46  }
0x12d: {  	v62 =	vld [tilespmem:s23+$0x192B0];
	v55 =	vadd.f32 v48, v47;
	[tilespmem:s23+$0x16030] =	vst v49  }
0x12e: {  	v58 =	vadd.f32 v51, v50;
	[tilespmem:s23+$0x12E80] =	vst v52  }
0x12f: {  	v2 =	vadd.f32 v54, v53;
	[tilespmem:s23+$0x16080] =	vst v55  }
0x130: {  	v63 =	vadd.f32 v60, v59;
	[tilespmem:s23+$0x12E90] =	vst v58  }
.Ltmp5:
0x131: {  	s20 =	sor.u32 s4, s20;
	v1 =	vadd.f32 v57, v56;
	[tilespmem:s23+$0x16090] =	vst v2;
	(pc) =	sbr.rel @p0 .LBB2_10-.Ltmp5, $4  }
0x132: {  	s24 =	smul.u32 $0xC80, s20;
	v0 =	vadd.f32 v62, v61;
	[tilespmem:s23+$0x160A0] =	vst v63  }
0x133: {  	[tilespmem:s23+$0x12EA0] =	vst v1  }
0x134: {  	s21 =	sadd.s32 s8, s24;
	[tilespmem:s23+$0x12EB0] =	vst v0  }
0x135: {  	[hbm4b:s21+s3] =	stream.linear.scatter [tilespmem:s7], [sflag:$0x4], $0x6400, $0x38;
	[tilespmem:$0x1C600] =	vst v63  }
0x136: {  	s20 =	sadd.s32 $0x2, s20  }
0x137: {  	s21 =	sshll.u32 s20, $0x4  }
0x138: {  	s20 =	sshll.u32 s20, $0x5;
	s21 =	sand.u32 $0x70, s21  }
0x139: {  	s20 =	sand.u32 $0xFFFFF00, s20;
	s21 =	sadd.s32 s5, s21  }
0x13a: {  	s20 =	sadd.s32 s20, s21  }
0x13b: {  	[tilespmem:s15], [sflag:$0x5] =	stream.strided.gather [hbm4b:s20+s13], $0x100, s14, s13, $0x38;
	[tilespmem:$0x1C600] =	vst v63  }
0x13c: {  	_ =	swait.ge [sflag:s12], $0x100  }
0x13d: {  	[sflag:s12] =	ssyncset.done $0x0  }
0x13e: {  	[sflag:s12] =	ssyncadd.s32 $0xFFFFFF00  }
0x13f: {  	_ =	swait.ge [sflag:s17], $0x6400  }
0x140: {  	[sflag:s17] =	ssyncset.done $0x0  }
0x141: {  	s21 =	simm.s32 $0x200;
	[sflag:s17] =	ssyncadd.s32 $0xFFFF9C00  }
0x142: {  	[tilespmem:s21], [sflag:$0x1] =	stream.indirect.gather [hbm4b:s6+s16], $0x80, s3, s16, $0xb8;
	[tilespmem:$0x1C600] =	vst v63  }
0x143: {  	s22 =	simm.s32 $0x1600  }
0x144: {  	[tilespmem:s22], [sflag:$0x1] =	stream.indirect.gather [hbm4b:s6+s16], $0x80, s16, s16, $0xb8;
	[tilespmem:$0x1C600] =	vst v63  }
0x145: {  	s23 =	simm.s32 $0x50;
	s24 =	simm.s32 $0x2A00  }
0x146: {  	[tilespmem:s24], [sflag:$0x1] =	stream.indirect.gather [hbm4b:s6+s16], $0x80, s23, s16, $0xb8;
	[tilespmem:$0x1C600] =	vst v63  }
.Ltmp6:
0x147: {  	_ = 	snop;
	(pc) =	sbr.rel .LBB2_2-.Ltmp6, $4  }
0x148: {  	s21 =	simm.s32 $0x78;
	s22 =	simm.s32 $0x3E00  }
0x149: {  	[tilespmem:s22], [sflag:$0x1] =	stream.indirect.gather [hbm4b:s6+s16], $0x80, s21, s16, $0xb8;
	[tilespmem:$0x1C600] =	vst v63  }
0x14a: {  	s19 =	sadd.s32 $0x1, s19;
	s23 =	simm.s32 $0xA0;
	s24 =	simm.s32 $0x5200  }
0x14b: {  	[tilespmem:s24], [sflag:$0x1] =	stream.indirect.gather [hbm4b:s6+s16], $0x80, s23, s16, $0xb8;
	[tilespmem:$0x1C600] =	vst v63  }
.LBB2_11:
0x14c: {  	_ =	sfence.sel $0x180000  }
0x14d: {  	[bflag:$0x0] =	sbarrier.arrive $0xFFFF  }
0x14e: {  	_ =	strace $0x90000047  }
0x14f: {  	s0 =	stileid.u32;
	[bflag:$0x2] =	sbarrier.arrive $0xFFFF  }
0x150: {  	p0 =	sne.s32 s0, $0x0;
	s0 =	rddreg [dreg:$0x2]  }
0x151: {  	s0 =	sadd.s32 @!p0 $0x100000, s0  }
0x152: {  	[sflag:s0] =	ssyncadd.tile.s32 @!p0 $0x1;
	_ =	shalt  }
.Lfunc_end2:
_tile_overlayer_lowered:
.L_overlay_start_2:
0x153: {  	(tag) =	ssettag $0x2  }
0x154: {  	s0 =	rddreg [dreg:$0x0];
	s2 =	stileid.u32  }
0x155: {  	s1 =	rddreg [dreg:$0x1];
	p0 =	sne.s32 s2, $0x0  }
0x156: {  	s3 =	rddreg [dreg:$0x2];
	[bflag:$0x3] =	sbarrier.arrive $0xFFFF;
	s2 =	simm.s32 @!p0 $0x1C05  }
0x157: {  	[timem:s3], [sflag:s2] =	dma.local @!p0 [hbm:s0], s1  }
0x158: {  	s0 =	simm.s32 @!p0 $0x5  }
0x159: {  	_ =	swait.ge @!p0 [sflag:s0], s1  }
0x15a: {  	s1 =	ssub.s32 @!p0 $0x0, s1;
	[sflag:s0] =	ssyncset.done @!p0 $0x0  }
0x15b: {  	[sflag:s0] =	ssyncadd.s32 @!p0 s1  }
0x15c: {  	[bflag:$0x3] =	sbarrier.arrive $0xFFFF  }
0x15d: {  	_ =	shalt  }

</sc_bundles>
